<compile_context>
chip_gen: v7x
topology: tpu7x:2x2x1
jax: 0.10.2.dev20260603
libtpu: 0.0.44.dev20260713+nightly
codegen_flags: <defaults>
</compile_context>

<pallas_src>
import functools

import jax
import jax.numpy as jnp
from jax import lax
from jax.experimental import pallas as pl
from jax.experimental.pallas import tpu as pltpu
from jax.experimental.pallas import tpu_sc as plsc

HIDDEN = 128
NREG = HIDDEN // 16
LN_EPS = 1e-12
NC, NS = 2, 16
NW = NC * NS
CHUNK = 128
NBUF = 2


def _tree_sum(xs):
    while len(xs) > 1:
        xs = [a + b for a, b in zip(xs[::2], xs[1::2])] + (
            [xs[-1]] if len(xs) % 2 else [])
    return xs[0]


def _sc_body(n_tokens, seq_hbm, reg_hbm, res_hbm, type_hbm, gamma_hbm,
             beta_hbm, out_hbm, sidx_v, ridx_v, rows_v, trows_v, out_v,
             gamma_v, beta_v, sem_idx, sem_in, sem_out):
    per_w = n_tokens // NW
    nch = per_w // CHUNK
    wid = lax.axis_index("s") * NC + lax.axis_index("c")
    base_w = wid * per_w

    pltpu.sync_copy(gamma_hbm, gamma_v)
    pltpu.sync_copy(beta_hbm, beta_v)

    g = [gamma_v[pl.ds(j * 16, 16)] for j in range(NREG)]
    b = [beta_v[pl.ds(j * 16, 16)] for j in range(NREG)]
    idx15 = jnp.full((16,), 15, jnp.int32)
    inv_h = jnp.full((16,), 1.0 / HIDDEN, jnp.float32)
    eps_v = jnp.full((16,), LN_EPS, jnp.float32)
    magic_v = jnp.full((16,), 0x5F3759DF, jnp.int32)
    c15_v = jnp.full((16,), 1.5, jnp.float32)
    half_v = jnp.full((16,), 0.5, jnp.float32)

    def start_idx(ci, bf):
        base = base_w + ci * CHUNK
        pltpu.async_copy(seq_hbm.at[pl.ds(base, CHUNK)], sidx_v.at[bf],
                         sem_idx.at[bf])
        pltpu.async_copy(reg_hbm.at[pl.ds(base, CHUNK)], ridx_v.at[bf],
                         sem_idx.at[bf])

    def wait_idx(bf):
        pltpu.make_async_copy(seq_hbm.at[pl.ds(0, CHUNK)], sidx_v.at[bf],
                              sem_idx.at[bf]).wait()
        pltpu.make_async_copy(reg_hbm.at[pl.ds(0, CHUNK)], ridx_v.at[bf],
                              sem_idx.at[bf]).wait()

    def start_in(bf):
        pltpu.async_copy(res_hbm.at[sidx_v.at[bf]], rows_v.at[bf],
                         sem_in.at[bf])
        pltpu.async_copy(type_hbm.at[ridx_v.at[bf]], trows_v.at[bf],
                         sem_in.at[bf])

    def wait_in(bf):
        pltpu.make_async_copy(res_hbm.at[pl.ds(0, CHUNK)], rows_v.at[bf],
                              sem_in.at[bf]).wait()
        pltpu.make_async_copy(type_hbm.at[pl.ds(0, CHUNK)], trows_v.at[bf],
                              sem_in.at[bf]).wait()

    def start_out(ci, bf):
        base = base_w + ci * CHUNK
        pltpu.async_copy(out_v.at[bf], out_hbm.at[pl.ds(base, CHUNK)],
                         sem_out.at[bf])

    def wait_out(bf):
        pltpu.make_async_copy(out_v.at[bf], out_hbm.at[pl.ds(0, CHUNK)],
                              sem_out.at[bf]).wait()

    def compute(bf):
        @plsc.parallel_loop(0, CHUNK, unroll=1)
        def tok_body(t):
            v = []
            for j in range(NREG):
                rv = rows_v[bf, t, pl.ds(j * 16, 16)]
                tv = trows_v[bf, t, pl.ds(j * 16, 16)]
                v.append(rv + tv)
            s = _tree_sum(v)
            sq = _tree_sum([x * x for x in v])
            stot = jnp.take_along_axis(
                plsc.cumsum(s), idx15, axis=0, mode="promise_in_bounds")
            qtot = jnp.take_along_axis(
                plsc.cumsum(sq), idx15, axis=0, mode="promise_in_bounds")
            mean_v = stot * inv_h
            var_v = qtot * inv_h - mean_v * mean_v
            x = var_v + eps_v
            xi = plsc.bitcast(x, jnp.int32)
            yi = magic_v - lax.shift_right_arithmetic(xi, 1)
            y = plsc.bitcast(yi, jnp.float32)
            y = y * (c15_v - (half_v * x) * (y * y))
            for j in range(NREG):
                out_v[bf, t, pl.ds(j * 16, 16)] = (
                    (v[j] - mean_v) * y) * g[j] + b[j]

    for bf in range(NBUF):
        start_idx(bf, bf)
    wait_idx(0)
    start_in(0)

    def outer(ci2, carry):
        for bf in range(NBUF):
            ci = ci2 * NBUF + bf

            @pl.when(ci < nch - 1)
            def _():
                wait_idx(1 - bf)
                start_in(1 - bf)

            wait_in(bf)

            @pl.when(ci < nch - NBUF)
            def _():
                start_idx(ci + NBUF, bf)

            @pl.when(ci2 > 0)
            def _():
                wait_out(bf)

            compute(bf)
            start_out(ci, bf)
        return carry

    lax.fori_loop(0, nch // NBUF, outer, 0)
    for bf in range(NBUF):
        wait_out(bf)


def kernel(seq_tokens, region_indices, residue_table, type_table, gamma,
           beta):
    bsz, seq_len = seq_tokens.shape
    n = bsz * seq_len
    seq_flat = seq_tokens.reshape(n).astype(jnp.int32)
    reg_flat = region_indices.reshape(n).astype(jnp.int32)

    mesh = plsc.VectorSubcoreMesh(core_axis_name="c", subcore_axis_name="s")
    run = pl.kernel(
        functools.partial(_sc_body, n),
        out_type=jax.ShapeDtypeStruct((n, HIDDEN), jnp.float32),
        mesh=mesh,
        compiler_params=pltpu.CompilerParams(needs_layout_passes=False),
        scratch_types=[
            pltpu.VMEM((NBUF, CHUNK), jnp.int32),
            pltpu.VMEM((NBUF, CHUNK), jnp.int32),
            pltpu.VMEM((NBUF, CHUNK, HIDDEN), jnp.float32),
            pltpu.VMEM((NBUF, CHUNK, HIDDEN), jnp.float32),
            pltpu.VMEM((NBUF, CHUNK, HIDDEN), jnp.float32),
            pltpu.VMEM((HIDDEN,), jnp.float32),
            pltpu.VMEM((HIDDEN,), jnp.float32),
            pltpu.SemaphoreType.DMA((NBUF,)),
            pltpu.SemaphoreType.DMA((NBUF,)),
            pltpu.SemaphoreType.DMA((NBUF,)),
        ],
    )
    out = run(seq_flat, reg_flat, residue_table, type_table, gamma, beta)
    return out.reshape(bsz, seq_len, HIDDEN)

# --- scband reference (transcript-rebuilt; emitter-appended) ---
"""Pipeline reference for scband-anti-embeddings-33767032881362 (READ-ONLY COPY).

The authoritative reference and input builder live on the scoring server;
editing this copy changes nothing except your own understanding.
"""

import jax, jax.numpy as jnp
import numpy as np

TOKEN_SIZE = 100000
HIDDEN_SIZE = 128
TYPE_RESIDUE_SIZE = 100  # token_type table has TYPE_RESIDUE_SIZE + 1 rows
PAD_TOKEN_ID = 0
LN_EPS = 1e-12
BATCH = 4096
SEQ_LEN = 200


def setup_inputs(seed: int = 0) -> dict:
    key = jax.random.key(seed)
    k1, k2, k3, k4 = jax.random.split(key, 4)
    seq_tokens = jax.random.randint(k1, (BATCH, SEQ_LEN), 0, TOKEN_SIZE, dtype=jnp.int64 if jax.config.jax_enable_x64 else jnp.int32)
    region_indices = jax.random.randint(k2, (BATCH, SEQ_LEN), 0, TYPE_RESIDUE_SIZE + 1, dtype=jnp.int64 if jax.config.jax_enable_x64 else jnp.int32)
    residue_table = jax.random.normal(k3, (TOKEN_SIZE, HIDDEN_SIZE), dtype=jnp.float32)
    # padding_idx row is zero-initialized in nn.Embedding
    residue_table = residue_table.at[PAD_TOKEN_ID].set(0.0)
    type_table = jax.random.normal(k4, (TYPE_RESIDUE_SIZE + 1, HIDDEN_SIZE), dtype=jnp.float32)
    gamma = jnp.ones((HIDDEN_SIZE,), dtype=jnp.float32)
    beta = jnp.zeros((HIDDEN_SIZE,), dtype=jnp.float32)
    return {
        "seq_tokens": seq_tokens,
        "region_indices": region_indices,
        "residue_table": residue_table,
        "type_table": type_table,
        "gamma": gamma,
        "beta": beta,
    }


def reference(seq_tokens, region_indices, residue_table, type_table, gamma, beta):
    # residue embedding lookup (gather)
    seq_embeddings = jnp.take(residue_table, seq_tokens, axis=0)
    # token type embedding lookup (gather)
    token_type_embeddings = jnp.take(type_table, region_indices, axis=0)
    embeddings = seq_embeddings + token_type_embeddings
    # LayerNorm over last dim
    mean = jnp.mean(embeddings, axis=-1, keepdims=True)
    var = jnp.var(embeddings, axis=-1, keepdims=True)
    normed = (embeddings - mean) / jnp.sqrt(var + LN_EPS)
    out = normed * gamma + beta
    # dropout is identity in eval mode
    return out

if __name__ == "__main__":
    import jax
    _d = setup_inputs()
    print(jax.jit(kernel)(*tuple(_d.values())))

</pallas_src>

<mosaic_0001>
#map = affine_map<(d0, d1) -> (0)>
#map1 = affine_map<(d0, d1) -> (0, 0)>
module attributes {stable_mosaic.version = 14 : i64} {
  func.func @_sc_body(%arg0: i32, %arg1: i32, %arg2: memref<819200xi32, #tpu.memory_space<hbm>>, %arg3: memref<819200xi32, #tpu.memory_space<hbm>>, %arg4: memref<100000x128xf32, #tpu.memory_space<hbm>>, %arg5: memref<101x128xf32, #tpu.memory_space<hbm>>, %arg6: memref<128xf32, #tpu.memory_space<hbm>>, %arg7: memref<128xf32, #tpu.memory_space<hbm>>, %arg8: memref<819200x128xf32, #tpu.memory_space<hbm>>, %arg9: memref<2x128xi32, #tpu.memory_space<vmem>>, %arg10: memref<2x128xi32, #tpu.memory_space<vmem>>, %arg11: memref<2x128x128xf32, #tpu.memory_space<vmem>>, %arg12: memref<2x128x128xf32, #tpu.memory_space<vmem>>, %arg13: memref<2x128x128xf32, #tpu.memory_space<vmem>>, %arg14: memref<128xf32, #tpu.memory_space<vmem>>, %arg15: memref<128xf32, #tpu.memory_space<vmem>>, %arg16: memref<2x!tpu.dma_semaphore, #tpu.memory_space<semaphore_mem>>, %arg17: memref<2x!tpu.dma_semaphore, #tpu.memory_space<semaphore_mem>>, %arg18: memref<2x!tpu.dma_semaphore, #tpu.memory_space<semaphore_mem>>) attributes {dimension_semantics = [#tpu.dimension_semantics<core_parallel>, #tpu.dimension_semantics<subcore_parallel>], iteration_bounds = array<i64: 2, 16>, scalar_prefetch = 0 : i64, scratch_operands = 10 : i64, tpu.core_type = #tpu.core_type<sc_vector_subcore>, window_params = [{transform_indices = #map}, {transform_indices = #map}, {transform_indices = #map1}, {transform_indices = #map1}, {transform_indices = #map}, {transform_indices = #map}, {transform_indices = #map1}]} {
    %mul3A = arith.constant 2 : i32
    %mul3A_0 = arith.muli %arg1, %mul3A : i32
    %add3A = arith.addi %mul3A_0, %arg0 : i32
    %mul3A_1 = arith.constant 25600 : i32
    %mul3A_2 = arith.muli %add3A, %mul3A_1 : i32
    "tpu.region"() ({
      %run_scoped3A = tpu.sem_alloc : memref<!tpu.dma_semaphore, #tpu.memory_space<semaphore_mem>>
      tpu.enqueue_dma source(%arg6 : memref<128xf32, #tpu.memory_space<hbm>>) target(%arg14 : memref<128xf32, #tpu.memory_space<vmem>>) target_semaphore(%run_scoped3A : memref<!tpu.dma_semaphore, #tpu.memory_space<semaphore_mem>>)
      tpu.wait_dma2 semaphore(%run_scoped3A : memref<!tpu.dma_semaphore, #tpu.memory_space<semaphore_mem>>) src(%arg6 : memref<128xf32, #tpu.memory_space<hbm>>) dst(%arg14 : memref<128xf32, #tpu.memory_space<vmem>>)
      tpu.yield
    }) : () -> ()
    "tpu.region"() ({
      %run_scoped3A = tpu.sem_alloc : memref<!tpu.dma_semaphore, #tpu.memory_space<semaphore_mem>>
      tpu.enqueue_dma source(%arg7 : memref<128xf32, #tpu.memory_space<hbm>>) target(%arg15 : memref<128xf32, #tpu.memory_space<vmem>>) target_semaphore(%run_scoped3A : memref<!tpu.dma_semaphore, #tpu.memory_space<semaphore_mem>>)
      tpu.wait_dma2 semaphore(%run_scoped3A : memref<!tpu.dma_semaphore, #tpu.memory_space<semaphore_mem>>) src(%arg7 : memref<128xf32, #tpu.memory_space<hbm>>) dst(%arg15 : memref<128xf32, #tpu.memory_space<vmem>>)
      tpu.yield
    }) : () -> ()
    %get3A = arith.constant 0 : index
    %get3A_3 = tpu.vector_load %arg14[%get3A] {strides = array<i32>} : memref<128xf32, #tpu.memory_space<vmem>>, vector<16xf32>,
    %get3A_4 = arith.constant 16 : index
    %get3A_5 = tpu.vector_load %arg14[%get3A_4] {strides = array<i32>} : memref<128xf32, #tpu.memory_space<vmem>>, vector<16xf32>,
    %get3A_6 = arith.constant 32 : index
    %get3A_7 = tpu.vector_load %arg14[%get3A_6] {strides = array<i32>} : memref<128xf32, #tpu.memory_space<vmem>>, vector<16xf32>,
    %get3A_8 = arith.constant 48 : index
    %get3A_9 = tpu.vector_load %arg14[%get3A_8] {strides = array<i32>} : memref<128xf32, #tpu.memory_space<vmem>>, vector<16xf32>,
    %get3A_10 = arith.constant 64 : index
    %get3A_11 = tpu.vector_load %arg14[%get3A_10] {strides = array<i32>} : memref<128xf32, #tpu.memory_space<vmem>>, vector<16xf32>,
    %get3A_12 = arith.constant 80 : index
    %get3A_13 = tpu.vector_load %arg14[%get3A_12] {strides = array<i32>} : memref<128xf32, #tpu.memory_space<vmem>>, vector<16xf32>,
    %get3A_14 = arith.constant 96 : index
    %get3A_15 = tpu.vector_load %arg14[%get3A_14] {strides = array<i32>} : memref<128xf32, #tpu.memory_space<vmem>>, vector<16xf32>,
    %get3A_16 = arith.constant 112 : index
    %get3A_17 = tpu.vector_load %arg14[%get3A_16] {strides = array<i32>} : memref<128xf32, #tpu.memory_space<vmem>>, vector<16xf32>,
    %get3A_18 = arith.constant 0 : index
    %get3A_19 = tpu.vector_load %arg15[%get3A_18] {strides = array<i32>} : memref<128xf32, #tpu.memory_space<vmem>>, vector<16xf32>,
    %get3A_20 = arith.constant 16 : index
    %get3A_21 = tpu.vector_load %arg15[%get3A_20] {strides = array<i32>} : memref<128xf32, #tpu.memory_space<vmem>>, vector<16xf32>,
    %get3A_22 = arith.constant 32 : index
    %get3A_23 = tpu.vector_load %arg15[%get3A_22] {strides = array<i32>} : memref<128xf32, #tpu.memory_space<vmem>>, vector<16xf32>,
    %get3A_24 = arith.constant 48 : index
    %get3A_25 = tpu.vector_load %arg15[%get3A_24] {strides = array<i32>} : memref<128xf32, #tpu.memory_space<vmem>>, vector<16xf32>,
    %get3A_26 = arith.constant 64 : index
    %get3A_27 = tpu.vector_load %arg15[%get3A_26] {strides = array<i32>} : memref<128xf32, #tpu.memory_space<vmem>>, vector<16xf32>,
    %get3A_28 = arith.constant 80 : index
    %get3A_29 = tpu.vector_load %arg15[%get3A_28] {strides = array<i32>} : memref<128xf32, #tpu.memory_space<vmem>>, vector<16xf32>,
    %get3A_30 = arith.constant 96 : index
    %get3A_31 = tpu.vector_load %arg15[%get3A_30] {strides = array<i32>} : memref<128xf32, #tpu.memory_space<vmem>>, vector<16xf32>,
    %get3A_32 = arith.constant 112 : index
    %get3A_33 = tpu.vector_load %arg15[%get3A_32] {strides = array<i32>} : memref<128xf32, #tpu.memory_space<vmem>>, vector<16xf32>,
    %broadcast_in_dim3A = arith.constant 15 : i32
    %broadcast_in_dim3A_34 = vector.broadcast %broadcast_in_dim3A : i32 to vector<16xi32>
    %broadcast_in_dim3A_35 = arith.constant 7.812500e-03 : f32
    %broadcast_in_dim3A_36 = vector.broadcast %broadcast_in_dim3A_35 : f32 to vector<16xf32>
    %broadcast_in_dim3A_37 = arith.constant 9.99999996E-13 : f32
    %broadcast_in_dim3A_38 = vector.broadcast %broadcast_in_dim3A_37 : f32 to vector<16xf32>
    %broadcast_in_dim3A_39 = arith.constant 1597463007 : i32
    %broadcast_in_dim3A_40 = vector.broadcast %broadcast_in_dim3A_39 : i32 to vector<16xi32>
    %broadcast_in_dim3A_41 = arith.constant 1.500000e+00 : f32
    %broadcast_in_dim3A_42 = vector.broadcast %broadcast_in_dim3A_41 : f32 to vector<16xf32>
    %broadcast_in_dim3A_43 = arith.constant 5.000000e-01 : f32
    %broadcast_in_dim3A_44 = vector.broadcast %broadcast_in_dim3A_43 : f32 to vector<16xf32>
    %add3A_45 = arith.constant 0 : i32
    %add3A_46 = arith.addi %mul3A_2, %add3A_45 : i32
    %dma_start3A = arith.constant 0 : i32
    %dma_start3A_47 = arith.constant 0 : i32
    %dma_start3A_48 = arith.constant 0 : i32
    %dma_start3A_49 = tpu.memref_slice %arg9[%dma_start3A, %dma_start3A_48] : memref<2x128xi32, #tpu.memory_space<vmem>> -> memref<1x128xi32, #tpu.memory_space<vmem>>
    %dma_start3A_50 = tpu.memref_squeeze %dma_start3A_49 : memref<1x128xi32, #tpu.memory_space<vmem>> -> memref<128xi32, #tpu.memory_space<vmem>>
    %dma_start3A_51 = tpu.memref_slice %arg2[%add3A_46] : memref<819200xi32, #tpu.memory_space<hbm>> -> memref<128xi32, #tpu.memory_space<hbm>>
    %dma_start3A_52 = tpu.memref_slice %arg16[%dma_start3A_47] : memref<2x!tpu.dma_semaphore, #tpu.memory_space<semaphore_mem>> -> memref<1x!tpu.dma_semaphore, #tpu.memory_space<semaphore_mem>>
    %dma_start3A_53 = tpu.memref_squeeze %dma_start3A_52 : memref<1x!tpu.dma_semaphore, #tpu.memory_space<semaphore_mem>> -> memref<!tpu.dma_semaphore, #tpu.memory_space<semaphore_mem>>
    %dma_start3A_54 = arith.constant 0 : i32
    %dma_start3A_55 = tpu.memref_slice %arg9[%dma_start3A, %dma_start3A_54] : memref<2x128xi32, #tpu.memory_space<vmem>> -> memref<1x128xi32, #tpu.memory_space<vmem>>
    %dma_start3A_56 = tpu.memref_squeeze %dma_start3A_55 : memref<1x128xi32, #tpu.memory_space<vmem>> -> memref<128xi32, #tpu.memory_space<vmem>>
    %dma_start3A_57 = tpu.memref_slice %arg2[%add3A_46] : memref<819200xi32, #tpu.memory_space<hbm>> -> memref<128xi32, #tpu.memory_space<hbm>>
    tpu.enqueue_dma source(%dma_start3A_57 : memref<128xi32, #tpu.memory_space<hbm>>) target(%dma_start3A_56 : memref<128xi32, #tpu.memory_space<vmem>>) target_semaphore(%dma_start3A_53 : memref<!tpu.dma_semaphore, #tpu.memory_space<semaphore_mem>>)
    %dma_start3A_58 = arith.constant 0 : i32
    %dma_start3A_59 = arith.constant 0 : i32
    %dma_start3A_60 = arith.constant 0 : i32
    %dma_start3A_61 = tpu.memref_slice %arg10[%dma_start3A_58, %dma_start3A_60] : memref<2x128xi32, #tpu.memory_space<vmem>> -> memref<1x128xi32, #tpu.memory_space<vmem>>
    %dma_start3A_62 = tpu.memref_squeeze %dma_start3A_61 : memref<1x128xi32, #tpu.memory_space<vmem>> -> memref<128xi32, #tpu.memory_space<vmem>>
    %dma_start3A_63 = tpu.memref_slice %arg3[%add3A_46] : memref<819200xi32, #tpu.memory_space<hbm>> -> memref<128xi32, #tpu.memory_space<hbm>>
    %dma_start3A_64 = tpu.memref_slice %arg16[%dma_start3A_59] : memref<2x!tpu.dma_semaphore, #tpu.memory_space<semaphore_mem>> -> memref<1x!tpu.dma_semaphore, #tpu.memory_space<semaphore_mem>>
    %dma_start3A_65 = tpu.memref_squeeze %dma_start3A_64 : memref<1x!tpu.dma_semaphore, #tpu.memory_space<semaphore_mem>> -> memref<!tpu.dma_semaphore, #tpu.memory_space<semaphore_mem>>
    %dma_start3A_66 = arith.constant 0 : i32
    %dma_start3A_67 = tpu.memref_slice %arg10[%dma_start3A_58, %dma_start3A_66] : memref<2x128xi32, #tpu.memory_space<vmem>> -> memref<1x128xi32, #tpu.memory_space<vmem>>
    %dma_start3A_68 = tpu.memref_squeeze %dma_start3A_67 : memref<1x128xi32, #tpu.memory_space<vmem>> -> memref<128xi32, #tpu.memory_space<vmem>>
    %dma_start3A_69 = tpu.memref_slice %arg3[%add3A_46] : memref<819200xi32, #tpu.memory_space<hbm>> -> memref<128xi32, #tpu.memory_space<hbm>>
    tpu.enqueue_dma source(%dma_start3A_69 : memref<128xi32, #tpu.memory_space<hbm>>) target(%dma_start3A_68 : memref<128xi32, #tpu.memory_space<vmem>>) target_semaphore(%dma_start3A_65 : memref<!tpu.dma_semaphore, #tpu.memory_space<semaphore_mem>>)
    %add3A_70 = arith.constant 128 : i32
    %add3A_71 = arith.addi %mul3A_2, %add3A_70 : i32
    %dma_start3A_72 = arith.constant 1 : i32
    %dma_start3A_73 = arith.constant 1 : i32
    %dma_start3A_74 = arith.constant 0 : i32
    %dma_start3A_75 = tpu.memref_slice %arg9[%dma_start3A_72, %dma_start3A_74] : memref<2x128xi32, #tpu.memory_space<vmem>> -> memref<1x128xi32, #tpu.memory_space<vmem>>
    %dma_start3A_76 = tpu.memref_squeeze %dma_start3A_75 : memref<1x128xi32, #tpu.memory_space<vmem>> -> memref<128xi32, #tpu.memory_space<vmem>>
    %dma_start3A_77 = tpu.memref_slice %arg2[%add3A_71] : memref<819200xi32, #tpu.memory_space<hbm>> -> memref<128xi32, #tpu.memory_space<hbm>>
    %dma_start3A_78 = tpu.memref_slice %arg16[%dma_start3A_73] : memref<2x!tpu.dma_semaphore, #tpu.memory_space<semaphore_mem>> -> memref<1x!tpu.dma_semaphore, #tpu.memory_space<semaphore_mem>>
    %dma_start3A_79 = tpu.memref_squeeze %dma_start3A_78 : memref<1x!tpu.dma_semaphore, #tpu.memory_space<semaphore_mem>> -> memref<!tpu.dma_semaphore, #tpu.memory_space<semaphore_mem>>
    %dma_start3A_80 = arith.constant 0 : i32
    %dma_start3A_81 = tpu.memref_slice %arg9[%dma_start3A_72, %dma_start3A_80] : memref<2x128xi32, #tpu.memory_space<vmem>> -> memref<1x128xi32, #tpu.memory_space<vmem>>
    %dma_start3A_82 = tpu.memref_squeeze %dma_start3A_81 : memref<1x128xi32, #tpu.memory_space<vmem>> -> memref<128xi32, #tpu.memory_space<vmem>>
    %dma_start3A_83 = tpu.memref_slice %arg2[%add3A_71] : memref<819200xi32, #tpu.memory_space<hbm>> -> memref<128xi32, #tpu.memory_space<hbm>>
    tpu.enqueue_dma source(%dma_start3A_83 : memref<128xi32, #tpu.memory_space<hbm>>) target(%dma_start3A_82 : memref<128xi32, #tpu.memory_space<vmem>>) target_semaphore(%dma_start3A_79 : memref<!tpu.dma_semaphore, #tpu.memory_space<semaphore_mem>>)
    %dma_start3A_84 = arith.constant 1 : i32
    %dma_start3A_85 = arith.constant 1 : i32
    %dma_start3A_86 = arith.constant 0 : i32
    %dma_start3A_87 = tpu.memref_slice %arg10[%dma_start3A_84, %dma_start3A_86] : memref<2x128xi32, #tpu.memory_space<vmem>> -> memref<1x128xi32, #tpu.memory_space<vmem>>
    %dma_start3A_88 = tpu.memref_squeeze %dma_start3A_87 : memref<1x128xi32, #tpu.memory_space<vmem>> -> memref<128xi32, #tpu.memory_space<vmem>>
    %dma_start3A_89 = tpu.memref_slice %arg3[%add3A_71] : memref<819200xi32, #tpu.memory_space<hbm>> -> memref<128xi32, #tpu.memory_space<hbm>>
    %dma_start3A_90 = tpu.memref_slice %arg16[%dma_start3A_85] : memref<2x!tpu.dma_semaphore, #tpu.memory_space<semaphore_mem>> -> memref<1x!tpu.dma_semaphore, #tpu.memory_space<semaphore_mem>>
    %dma_start3A_91 = tpu.memref_squeeze %dma_start3A_90 : memref<1x!tpu.dma_semaphore, #tpu.memory_space<semaphore_mem>> -> memref<!tpu.dma_semaphore, #tpu.memory_space<semaphore_mem>>
    %dma_start3A_92 = arith.constant 0 : i32
    %dma_start3A_93 = tpu.memref_slice %arg10[%dma_start3A_84, %dma_start3A_92] : memref<2x128xi32, #tpu.memory_space<vmem>> -> memref<1x128xi32, #tpu.memory_space<vmem>>
    %dma_start3A_94 = tpu.memref_squeeze %dma_start3A_93 : memref<1x128xi32, #tpu.memory_space<vmem>> -> memref<128xi32, #tpu.memory_space<vmem>>
    %dma_start3A_95 = tpu.memref_slice %arg3[%add3A_71] : memref<819200xi32, #tpu.memory_space<hbm>> -> memref<128xi32, #tpu.memory_space<hbm>>
    tpu.enqueue_dma source(%dma_start3A_95 : memref<128xi32, #tpu.memory_space<hbm>>) target(%dma_start3A_94 : memref<128xi32, #tpu.memory_space<vmem>>) target_semaphore(%dma_start3A_91 : memref<!tpu.dma_semaphore, #tpu.memory_space<semaphore_mem>>)
    %dma_wait3A = arith.constant 0 : i32
    %dma_wait3A_96 = arith.constant 0 : i32
    %dma_wait3A_97 = arith.constant 0 : i32
    %dma_wait3A_98 = tpu.memref_slice %arg9[%dma_wait3A, %dma_wait3A_97] : memref<2x128xi32, #tpu.memory_space<vmem>> -> memref<1x128xi32, #tpu.memory_space<vmem>>
    %dma_wait3A_99 = tpu.memref_squeeze %dma_wait3A_98 : memref<1x128xi32, #tpu.memory_space<vmem>> -> memref<128xi32, #tpu.memory_space<vmem>>
    %dma_wait3A_100 = arith.constant 0 : i32
    %dma_wait3A_101 = tpu.memref_slice %arg2[%dma_wait3A_100] : memref<819200xi32, #tpu.memory_space<hbm>> -> memref<128xi32, #tpu.memory_space<hbm>>
    %dma_wait3A_102 = tpu.memref_slice %arg16[%dma_wait3A_96] : memref<2x!tpu.dma_semaphore, #tpu.memory_space<semaphore_mem>> -> memref<1x!tpu.dma_semaphore, #tpu.memory_space<semaphore_mem>>
    %dma_wait3A_103 = tpu.memref_squeeze %dma_wait3A_102 : memref<1x!tpu.dma_semaphore, #tpu.memory_space<semaphore_mem>> -> memref<!tpu.dma_semaphore, #tpu.memory_space<semaphore_mem>>
    %dma_wait3A_104 = arith.constant 0 : i32
    %dma_wait3A_105 = tpu.memref_slice %arg9[%dma_wait3A, %dma_wait3A_104] : memref<2x128xi32, #tpu.memory_space<vmem>> -> memref<1x128xi32, #tpu.memory_space<vmem>>
    %dma_wait3A_106 = tpu.memref_squeeze %dma_wait3A_105 : memref<1x128xi32, #tpu.memory_space<vmem>> -> memref<128xi32, #tpu.memory_space<vmem>>
    %dma_wait3A_107 = arith.constant 0 : i32
    %dma_wait3A_108 = tpu.memref_slice %arg2[%dma_wait3A_107] : memref<819200xi32, #tpu.memory_space<hbm>> -> memref<128xi32, #tpu.memory_space<hbm>>
    tpu.wait_dma2 semaphore(%dma_wait3A_103 : memref<!tpu.dma_semaphore, #tpu.memory_space<semaphore_mem>>) src(%dma_wait3A_108 : memref<128xi32, #tpu.memory_space<hbm>>) dst(%dma_wait3A_106 : memref<128xi32, #tpu.memory_space<vmem>>)
    %dma_wait3A_109 = arith.constant 0 : i32
    %dma_wait3A_110 = arith.constant 0 : i32
    %dma_wait3A_111 = arith.constant 0 : i32
    %dma_wait3A_112 = tpu.memref_slice %arg10[%dma_wait3A_109, %dma_wait3A_111] : memref<2x128xi32, #tpu.memory_space<vmem>> -> memref<1x128xi32, #tpu.memory_space<vmem>>
    %dma_wait3A_113 = tpu.memref_squeeze %dma_wait3A_112 : memref<1x128xi32, #tpu.memory_space<vmem>> -> memref<128xi32, #tpu.memory_space<vmem>>
    %dma_wait3A_114 = arith.constant 0 : i32
    %dma_wait3A_115 = tpu.memref_slice %arg3[%dma_wait3A_114] : memref<819200xi32, #tpu.memory_space<hbm>> -> memref<128xi32, #tpu.memory_space<hbm>>
    %dma_wait3A_116 = tpu.memref_slice %arg16[%dma_wait3A_110] : memref<2x!tpu.dma_semaphore, #tpu.memory_space<semaphore_mem>> -> memref<1x!tpu.dma_semaphore, #tpu.memory_space<semaphore_mem>>
    %dma_wait3A_117 = tpu.memref_squeeze %dma_wait3A_116 : memref<1x!tpu.dma_semaphore, #tpu.memory_space<semaphore_mem>> -> memref<!tpu.dma_semaphore, #tpu.memory_space<semaphore_mem>>
    %dma_wait3A_118 = arith.constant 0 : i32
    %dma_wait3A_119 = tpu.memref_slice %arg10[%dma_wait3A_109, %dma_wait3A_118] : memref<2x128xi32, #tpu.memory_space<vmem>> -> memref<1x128xi32, #tpu.memory_space<vmem>>
    %dma_wait3A_120 = tpu.memref_squeeze %dma_wait3A_119 : memref<1x128xi32, #tpu.memory_space<vmem>> -> memref<128xi32, #tpu.memory_space<vmem>>
    %dma_wait3A_121 = arith.constant 0 : i32
    %dma_wait3A_122 = tpu.memref_slice %arg3[%dma_wait3A_121] : memref<819200xi32, #tpu.memory_space<hbm>> -> memref<128xi32, #tpu.memory_space<hbm>>
    tpu.wait_dma2 semaphore(%dma_wait3A_117 : memref<!tpu.dma_semaphore, #tpu.memory_space<semaphore_mem>>) src(%dma_wait3A_122 : memref<128xi32, #tpu.memory_space<hbm>>) dst(%dma_wait3A_120 : memref<128xi32, #tpu.memory_space<vmem>>)
    %dma_start3A_123 = arith.constant 0 : i32
    %dma_start3A_124 = arith.constant 0 : i32
    %dma_start3A_125 = arith.constant 0 : i32
    %dma_start3A_126 = arith.constant 0 : i32
    %dma_start3A_127 = arith.constant 0 : i32
    %dma_start3A_128 = tpu.memref_slice %arg11[%dma_start3A_124, %dma_start3A_126, %dma_start3A_127] : memref<2x128x128xf32, #tpu.memory_space<vmem>> -> memref<1x128x128xf32, #tpu.memory_space<vmem>>
    %dma_start3A_129 = tpu.memref_squeeze %dma_start3A_128 : memref<1x128x128xf32, #tpu.memory_space<vmem>> -> memref<128x128xf32, #tpu.memory_space<vmem>>
    %dma_start3A_130 = arith.constant 0 : i32
    %dma_start3A_131 = tpu.memref_slice %arg9[%dma_start3A_123, %dma_start3A_130] : memref<2x128xi32, #tpu.memory_space<vmem>> -> memref<1x128xi32, #tpu.memory_space<vmem>>
    %dma_start3A_132 = tpu.memref_squeeze %dma_start3A_131 : memref<1x128xi32, #tpu.memory_space<vmem>> -> memref<128xi32, #tpu.memory_space<vmem>>
    %dma_start3A_133 = arith.constant 0 : i32
    %dma_start3A_134 = arith.constant 0 : i32
    %dma_start3A_135 = tpu.memref_slice %arg4[%dma_start3A_133, %dma_start3A_134] : memref<100000x128xf32, #tpu.memory_space<hbm>> -> memref<100000x128xf32, #tpu.memory_space<hbm>>
    %dma_start3A_136 = tpu.memref_slice %arg17[%dma_start3A_125] : memref<2x!tpu.dma_semaphore, #tpu.memory_space<semaphore_mem>> -> memref<1x!tpu.dma_semaphore, #tpu.memory_space<semaphore_mem>>
    %dma_start3A_137 = tpu.memref_squeeze %dma_start3A_136 : memref<1x!tpu.dma_semaphore, #tpu.memory_space<semaphore_mem>> -> memref<!tpu.dma_semaphore, #tpu.memory_space<semaphore_mem>>
    tpu.enqueue_indirect_dma source(%dma_start3A_135 : memref<100000x128xf32, #tpu.memory_space<hbm>>) target(%dma_start3A_129 : memref<128x128xf32, #tpu.memory_space<vmem>>) offsets(%dma_start3A_132 : memref<128xi32, #tpu.memory_space<vmem>>) semaphore(%dma_start3A_137 : memref<!tpu.dma_semaphore, #tpu.memory_space<semaphore_mem>>)
    %dma_start3A_138 = arith.constant 0 : i32
    %dma_start3A_139 = arith.constant 0 : i32
    %dma_start3A_140 = arith.constant 0 : i32
    %dma_start3A_141 = arith.constant 0 : i32
    %dma_start3A_142 = arith.constant 0 : i32
    %dma_start3A_143 = tpu.memref_slice %arg12[%dma_start3A_139, %dma_start3A_141, %dma_start3A_142] : memref<2x128x128xf32, #tpu.memory_space<vmem>> -> memref<1x128x128xf32, #tpu.memory_space<vmem>>
    %dma_start3A_144 = tpu.memref_squeeze %dma_start3A_143 : memref<1x128x128xf32, #tpu.memory_space<vmem>> -> memref<128x128xf32, #tpu.memory_space<vmem>>
    %dma_start3A_145 = arith.constant 0 : i32
    %dma_start3A_146 = tpu.memref_slice %arg10[%dma_start3A_138, %dma_start3A_145] : memref<2x128xi32, #tpu.memory_space<vmem>> -> memref<1x128xi32, #tpu.memory_space<vmem>>
    %dma_start3A_147 = tpu.memref_squeeze %dma_start3A_146 : memref<1x128xi32, #tpu.memory_space<vmem>> -> memref<128xi32, #tpu.memory_space<vmem>>
    %dma_start3A_148 = arith.constant 0 : i32
    %dma_start3A_149 = arith.constant 0 : i32
    %dma_start3A_150 = tpu.memref_slice %arg5[%dma_start3A_148, %dma_start3A_149] : memref<101x128xf32, #tpu.memory_space<hbm>> -> memref<101x128xf32, #tpu.memory_space<hbm>>
    %dma_start3A_151 = tpu.memref_slice %arg17[%dma_start3A_140] : memref<2x!tpu.dma_semaphore, #tpu.memory_space<semaphore_mem>> -> memref<1x!tpu.dma_semaphore, #tpu.memory_space<semaphore_mem>>
    %dma_start3A_152 = tpu.memref_squeeze %dma_start3A_151 : memref<1x!tpu.dma_semaphore, #tpu.memory_space<semaphore_mem>> -> memref<!tpu.dma_semaphore, #tpu.memory_space<semaphore_mem>>
    tpu.enqueue_indirect_dma source(%dma_start3A_150 : memref<101x128xf32, #tpu.memory_space<hbm>>) target(%dma_start3A_144 : memref<128x128xf32, #tpu.memory_space<vmem>>) offsets(%dma_start3A_147 : memref<128xi32, #tpu.memory_space<vmem>>) semaphore(%dma_start3A_152 : memref<!tpu.dma_semaphore, #tpu.memory_space<semaphore_mem>>)
    %scan3A = arith.constant 0 : i32
    %scan3A_153 = arith.constant 0 : i32
    %scan3A_154 = arith.constant 100 : i32
    %scan3A_155 = arith.addi %scan3A_153, %scan3A_154 : i32
    %scan3A_156 = arith.constant 1 : i32
    scf.for %scan3A_194 = %scan3A_153 to %scan3A_155 step %scan3A_156  : i32 {
      %mul3A_195 = arith.constant 2 : i32
      %mul3A_196 = arith.muli %scan3A_194, %mul3A_195 : i32
      %add3A_197 = arith.constant 0 : i32
      %add3A_198 = arith.addi %mul3A_196, %add3A_197 : i32
      %lt3A = arith.constant 199 : i32
      %lt3A_199 = arith.cmpi slt, %add3A_198, %lt3A : i32
      %convert_element_type3A = arith.extui %lt3A_199 : i1 to i32
      %cond3A = arith.constant 0 : i32
      %cond3A_200 = arith.cmpi ne, %convert_element_type3A, %cond3A : i32
      scf.if %cond3A_200 {
        %dma_wait3A_344 = arith.constant 1 : i32
        %dma_wait3A_345 = arith.constant 1 : i32
        %dma_wait3A_346 = arith.constant 0 : i32
        %dma_wait3A_347 = tpu.memref_slice %arg9[%dma_wait3A_344, %dma_wait3A_346] : memref<2x128xi32, #tpu.memory_space<vmem>> -> memref<1x128xi32, #tpu.memory_space<vmem>>
        %dma_wait3A_348 = tpu.memref_squeeze %dma_wait3A_347 : memref<1x128xi32, #tpu.memory_space<vmem>> -> memref<128xi32, #tpu.memory_space<vmem>>
        %dma_wait3A_349 = arith.constant 0 : i32
        %dma_wait3A_350 = tpu.memref_slice %arg2[%dma_wait3A_349] : memref<819200xi32, #tpu.memory_space<hbm>> -> memref<128xi32, #tpu.memory_space<hbm>>
        %dma_wait3A_351 = tpu.memref_slice %arg16[%dma_wait3A_345] : memref<2x!tpu.dma_semaphore, #tpu.memory_space<semaphore_mem>> -> memref<1x!tpu.dma_semaphore, #tpu.memory_space<semaphore_mem>>
        %dma_wait3A_352 = tpu.memref_squeeze %dma_wait3A_351 : memref<1x!tpu.dma_semaphore, #tpu.memory_space<semaphore_mem>> -> memref<!tpu.dma_semaphore, #tpu.memory_space<semaphore_mem>>
        %dma_wait3A_353 = arith.constant 0 : i32
        %dma_wait3A_354 = tpu.memref_slice %arg9[%dma_wait3A_344, %dma_wait3A_353] : memref<2x128xi32, #tpu.memory_space<vmem>> -> memref<1x128xi32, #tpu.memory_space<vmem>>
        %dma_wait3A_355 = tpu.memref_squeeze %dma_wait3A_354 : memref<1x128xi32, #tpu.memory_space<vmem>> -> memref<128xi32, #tpu.memory_space<vmem>>
        %dma_wait3A_356 = arith.constant 0 : i32
        %dma_wait3A_357 = tpu.memref_slice %arg2[%dma_wait3A_356] : memref<819200xi32, #tpu.memory_space<hbm>> -> memref<128xi32, #tpu.memory_space<hbm>>
        tpu.wait_dma2 semaphore(%dma_wait3A_352 : memref<!tpu.dma_semaphore, #tpu.memory_space<semaphore_mem>>) src(%dma_wait3A_357 : memref<128xi32, #tpu.memory_space<hbm>>) dst(%dma_wait3A_355 : memref<128xi32, #tpu.memory_space<vmem>>)
        %dma_wait3A_358 = arith.constant 1 : i32
        %dma_wait3A_359 = arith.constant 1 : i32
        %dma_wait3A_360 = arith.constant 0 : i32
        %dma_wait3A_361 = tpu.memref_slice %arg10[%dma_wait3A_358, %dma_wait3A_360] : memref<2x128xi32, #tpu.memory_space<vmem>> -> memref<1x128xi32, #tpu.memory_space<vmem>>
        %dma_wait3A_362 = tpu.memref_squeeze %dma_wait3A_361 : memref<1x128xi32, #tpu.memory_space<vmem>> -> memref<128xi32, #tpu.memory_space<vmem>>
        %dma_wait3A_363 = arith.constant 0 : i32
        %dma_wait3A_364 = tpu.memref_slice %arg3[%dma_wait3A_363] : memref<819200xi32, #tpu.memory_space<hbm>> -> memref<128xi32, #tpu.memory_space<hbm>>
        %dma_wait3A_365 = tpu.memref_slice %arg16[%dma_wait3A_359] : memref<2x!tpu.dma_semaphore, #tpu.memory_space<semaphore_mem>> -> memref<1x!tpu.dma_semaphore, #tpu.memory_space<semaphore_mem>>
        %dma_wait3A_366 = tpu.memref_squeeze %dma_wait3A_365 : memref<1x!tpu.dma_semaphore, #tpu.memory_space<semaphore_mem>> -> memref<!tpu.dma_semaphore, #tpu.memory_space<semaphore_mem>>
        %dma_wait3A_367 = arith.constant 0 : i32
        %dma_wait3A_368 = tpu.memref_slice %arg10[%dma_wait3A_358, %dma_wait3A_367] : memref<2x128xi32, #tpu.memory_space<vmem>> -> memref<1x128xi32, #tpu.memory_space<vmem>>
        %dma_wait3A_369 = tpu.memref_squeeze %dma_wait3A_368 : memref<1x128xi32, #tpu.memory_space<vmem>> -> memref<128xi32, #tpu.memory_space<vmem>>
        %dma_wait3A_370 = arith.constant 0 : i32
        %dma_wait3A_371 = tpu.memref_slice %arg3[%dma_wait3A_370] : memref<819200xi32, #tpu.memory_space<hbm>> -> memref<128xi32, #tpu.memory_space<hbm>>
        tpu.wait_dma2 semaphore(%dma_wait3A_366 : memref<!tpu.dma_semaphore, #tpu.memory_space<semaphore_mem>>) src(%dma_wait3A_371 : memref<128xi32, #tpu.memory_space<hbm>>) dst(%dma_wait3A_369 : memref<128xi32, #tpu.memory_space<vmem>>)
        %dma_start3A_372 = arith.constant 1 : i32
        %dma_start3A_373 = arith.constant 1 : i32
        %dma_start3A_374 = arith.constant 1 : i32
        %dma_start3A_375 = arith.constant 0 : i32
        %dma_start3A_376 = arith.constant 0 : i32
        %dma_start3A_377 = tpu.memref_slice %arg11[%dma_start3A_373, %dma_start3A_375, %dma_start3A_376] : memref<2x128x128xf32, #tpu.memory_space<vmem>> -> memref<1x128x128xf32, #tpu.memory_space<vmem>>
        %dma_start3A_378 = tpu.memref_squeeze %dma_start3A_377 : memref<1x128x128xf32, #tpu.memory_space<vmem>> -> memref<128x128xf32, #tpu.memory_space<vmem>>
        %dma_start3A_379 = arith.constant 0 : i32
        %dma_start3A_380 = tpu.memref_slice %arg9[%dma_start3A_372, %dma_start3A_379] : memref<2x128xi32, #tpu.memory_space<vmem>> -> memref<1x128xi32, #tpu.memory_space<vmem>>
        %dma_start3A_381 = tpu.memref_squeeze %dma_start3A_380 : memref<1x128xi32, #tpu.memory_space<vmem>> -> memref<128xi32, #tpu.memory_space<vmem>>
        %dma_start3A_382 = arith.constant 0 : i32
        %dma_start3A_383 = arith.constant 0 : i32
        %dma_start3A_384 = tpu.memref_slice %arg4[%dma_start3A_382, %dma_start3A_383] : memref<100000x128xf32, #tpu.memory_space<hbm>> -> memref<100000x128xf32, #tpu.memory_space<hbm>>
        %dma_start3A_385 = tpu.memref_slice %arg17[%dma_start3A_374] : memref<2x!tpu.dma_semaphore, #tpu.memory_space<semaphore_mem>> -> memref<1x!tpu.dma_semaphore, #tpu.memory_space<semaphore_mem>>
        %dma_start3A_386 = tpu.memref_squeeze %dma_start3A_385 : memref<1x!tpu.dma_semaphore, #tpu.memory_space<semaphore_mem>> -> memref<!tpu.dma_semaphore, #tpu.memory_space<semaphore_mem>>
        tpu.enqueue_indirect_dma source(%dma_start3A_384 : memref<100000x128xf32, #tpu.memory_space<hbm>>) target(%dma_start3A_378 : memref<128x128xf32, #tpu.memory_space<vmem>>) offsets(%dma_start3A_381 : memref<128xi32, #tpu.memory_space<vmem>>) semaphore(%dma_start3A_386 : memref<!tpu.dma_semaphore, #tpu.memory_space<semaphore_mem>>)
        %dma_start3A_387 = arith.constant 1 : i32
        %dma_start3A_388 = arith.constant 1 : i32
        %dma_start3A_389 = arith.constant 1 : i32
        %dma_start3A_390 = arith.constant 0 : i32
        %dma_start3A_391 = arith.constant 0 : i32
        %dma_start3A_392 = tpu.memref_slice %arg12[%dma_start3A_388, %dma_start3A_390, %dma_start3A_391] : memref<2x128x128xf32, #tpu.memory_space<vmem>> -> memref<1x128x128xf32, #tpu.memory_space<vmem>>
        %dma_start3A_393 = tpu.memref_squeeze %dma_start3A_392 : memref<1x128x128xf32, #tpu.memory_space<vmem>> -> memref<128x128xf32, #tpu.memory_space<vmem>>
        %dma_start3A_394 = arith.constant 0 : i32
        %dma_start3A_395 = tpu.memref_slice %arg10[%dma_start3A_387, %dma_start3A_394] : memref<2x128xi32, #tpu.memory_space<vmem>> -> memref<1x128xi32, #tpu.memory_space<vmem>>
        %dma_start3A_396 = tpu.memref_squeeze %dma_start3A_395 : memref<1x128xi32, #tpu.memory_space<vmem>> -> memref<128xi32, #tpu.memory_space<vmem>>
        %dma_start3A_397 = arith.constant 0 : i32
        %dma_start3A_398 = arith.constant 0 : i32
        %dma_start3A_399 = tpu.memref_slice %arg5[%dma_start3A_397, %dma_start3A_398] : memref<101x128xf32, #tpu.memory_space<hbm>> -> memref<101x128xf32, #tpu.memory_space<hbm>>
        %dma_start3A_400 = tpu.memref_slice %arg17[%dma_start3A_389] : memref<2x!tpu.dma_semaphore, #tpu.memory_space<semaphore_mem>> -> memref<1x!tpu.dma_semaphore, #tpu.memory_space<semaphore_mem>>
        %dma_start3A_401 = tpu.memref_squeeze %dma_start3A_400 : memref<1x!tpu.dma_semaphore, #tpu.memory_space<semaphore_mem>> -> memref<!tpu.dma_semaphore, #tpu.memory_space<semaphore_mem>>
        tpu.enqueue_indirect_dma source(%dma_start3A_399 : memref<101x128xf32, #tpu.memory_space<hbm>>) target(%dma_start3A_393 : memref<128x128xf32, #tpu.memory_space<vmem>>) offsets(%dma_start3A_396 : memref<128xi32, #tpu.memory_space<vmem>>) semaphore(%dma_start3A_401 : memref<!tpu.dma_semaphore, #tpu.memory_space<semaphore_mem>>)
      } else {
      }
      %dma_wait3A_201 = arith.constant 0 : i32
      %dma_wait3A_202 = arith.constant 0 : i32
      %dma_wait3A_203 = arith.constant 0 : i32
      %dma_wait3A_204 = arith.constant 0 : i32
      %dma_wait3A_205 = tpu.memref_slice %arg11[%dma_wait3A_201, %dma_wait3A_203, %dma_wait3A_204] : memref<2x128x128xf32, #tpu.memory_space<vmem>> -> memref<1x128x128xf32, #tpu.memory_space<vmem>>
      %dma_wait3A_206 = tpu.memref_squeeze %dma_wait3A_205 : memref<1x128x128xf32, #tpu.memory_space<vmem>> -> memref<128x128xf32, #tpu.memory_space<vmem>>
      %dma_wait3A_207 = arith.constant 0 : i32
      %dma_wait3A_208 = arith.constant 0 : i32
      %dma_wait3A_209 = tpu.memref_slice %arg4[%dma_wait3A_207, %dma_wait3A_208] : memref<100000x128xf32, #tpu.memory_space<hbm>> -> memref<128x128xf32, #tpu.memory_space<hbm>>
      %dma_wait3A_210 = tpu.memref_slice %arg17[%dma_wait3A_202] : memref<2x!tpu.dma_semaphore, #tpu.memory_space<semaphore_mem>> -> memref<1x!tpu.dma_semaphore, #tpu.memory_space<semaphore_mem>>
      %dma_wait3A_211 = tpu.memref_squeeze %dma_wait3A_210 : memref<1x!tpu.dma_semaphore, #tpu.memory_space<semaphore_mem>> -> memref<!tpu.dma_semaphore, #tpu.memory_space<semaphore_mem>>
      %dma_wait3A_212 = arith.constant 0 : i32
      %dma_wait3A_213 = arith.constant 0 : i32
      %dma_wait3A_214 = tpu.memref_slice %arg11[%dma_wait3A_201, %dma_wait3A_212, %dma_wait3A_213] : memref<2x128x128xf32, #tpu.memory_space<vmem>> -> memref<1x128x128xf32, #tpu.memory_space<vmem>>
      %dma_wait3A_215 = tpu.memref_squeeze %dma_wait3A_214 : memref<1x128x128xf32, #tpu.memory_space<vmem>> -> memref<128x128xf32, #tpu.memory_space<vmem>>
      %dma_wait3A_216 = arith.constant 0 : i32
      %dma_wait3A_217 = arith.constant 0 : i32
      %dma_wait3A_218 = tpu.memref_slice %arg4[%dma_wait3A_216, %dma_wait3A_217] : memref<100000x128xf32, #tpu.memory_space<hbm>> -> memref<128x128xf32, #tpu.memory_space<hbm>>
      tpu.wait_dma2 semaphore(%dma_wait3A_211 : memref<!tpu.dma_semaphore, #tpu.memory_space<semaphore_mem>>) src(%dma_wait3A_218 : memref<128x128xf32, #tpu.memory_space<hbm>>) dst(%dma_wait3A_215 : memref<128x128xf32, #tpu.memory_space<vmem>>)
      %dma_wait3A_219 = arith.constant 0 : i32
      %dma_wait3A_220 = arith.constant 0 : i32
      %dma_wait3A_221 = arith.constant 0 : i32
      %dma_wait3A_222 = arith.constant 0 : i32
      %dma_wait3A_223 = tpu.memref_slice %arg12[%dma_wait3A_219, %dma_wait3A_221, %dma_wait3A_222] : memref<2x128x128xf32, #tpu.memory_space<vmem>> -> memref<1x128x128xf32, #tpu.memory_space<vmem>>
      %dma_wait3A_224 = tpu.memref_squeeze %dma_wait3A_223 : memref<1x128x128xf32, #tpu.memory_space<vmem>> -> memref<128x128xf32, #tpu.memory_space<vmem>>
      %dma_wait3A_225 = arith.constant 0 : i32
      %dma_wait3A_226 = arith.constant 0 : i32
      %dma_wait3A_227 = tpu.memref_slice %arg5[%dma_wait3A_225, %dma_wait3A_226] : memref<101x128xf32, #tpu.memory_space<hbm>> -> memref<128x128xf32, #tpu.memory_space<hbm>>
      %dma_wait3A_228 = tpu.memref_slice %arg17[%dma_wait3A_220] : memref<2x!tpu.dma_semaphore, #tpu.memory_space<semaphore_mem>> -> memref<1x!tpu.dma_semaphore, #tpu.memory_space<semaphore_mem>>
      %dma_wait3A_229 = tpu.memref_squeeze %dma_wait3A_228 : memref<1x!tpu.dma_semaphore, #tpu.memory_space<semaphore_mem>> -> memref<!tpu.dma_semaphore, #tpu.memory_space<semaphore_mem>>
      %dma_wait3A_230 = arith.constant 0 : i32
      %dma_wait3A_231 = arith.constant 0 : i32
      %dma_wait3A_232 = tpu.memref_slice %arg12[%dma_wait3A_219, %dma_wait3A_230, %dma_wait3A_231] : memref<2x128x128xf32, #tpu.memory_space<vmem>> -> memref<1x128x128xf32, #tpu.memory_space<vmem>>
      %dma_wait3A_233 = tpu.memref_squeeze %dma_wait3A_232 : memref<1x128x128xf32, #tpu.memory_space<vmem>> -> memref<128x128xf32, #tpu.memory_space<vmem>>
      %dma_wait3A_234 = arith.constant 0 : i32
      %dma_wait3A_235 = arith.constant 0 : i32
      %dma_wait3A_236 = tpu.memref_slice %arg5[%dma_wait3A_234, %dma_wait3A_235] : memref<101x128xf32, #tpu.memory_space<hbm>> -> memref<128x128xf32, #tpu.memory_space<hbm>>
      tpu.wait_dma2 semaphore(%dma_wait3A_229 : memref<!tpu.dma_semaphore, #tpu.memory_space<semaphore_mem>>) src(%dma_wait3A_236 : memref<128x128xf32, #tpu.memory_space<hbm>>) dst(%dma_wait3A_233 : memref<128x128xf32, #tpu.memory_space<vmem>>)
      %lt3A_237 = arith.constant 198 : i32
      %lt3A_238 = arith.cmpi slt, %add3A_198, %lt3A_237 : i32
      %convert_element_type3A_239 = arith.extui %lt3A_238 : i1 to i32
      %cond3A_240 = arith.constant 0 : i32
      %cond3A_241 = arith.cmpi ne, %convert_element_type3A_239, %cond3A_240 : i32
      scf.if %cond3A_241 {
        %add3A_344 = arith.constant 2 : i32
        %add3A_345 = arith.addi %add3A_198, %add3A_344 : i32
        %mul3A_346 = arith.constant 128 : i32
        %mul3A_347 = arith.muli %add3A_345, %mul3A_346 : i32
        %add3A_348 = arith.addi %mul3A_2, %mul3A_347 : i32
        %dma_start3A_349 = arith.constant 0 : i32
        %dma_start3A_350 = arith.constant 0 : i32
        %dma_start3A_351 = arith.constant 0 : i32
        %dma_start3A_352 = tpu.memref_slice %arg9[%dma_start3A_349, %dma_start3A_351] : memref<2x128xi32, #tpu.memory_space<vmem>> -> memref<1x128xi32, #tpu.memory_space<vmem>>
        %dma_start3A_353 = tpu.memref_squeeze %dma_start3A_352 : memref<1x128xi32, #tpu.memory_space<vmem>> -> memref<128xi32, #tpu.memory_space<vmem>>
        %dma_start3A_354 = tpu.memref_slice %arg2[%add3A_348] : memref<819200xi32, #tpu.memory_space<hbm>> -> memref<128xi32, #tpu.memory_space<hbm>>
        %dma_start3A_355 = tpu.memref_slice %arg16[%dma_start3A_350] : memref<2x!tpu.dma_semaphore, #tpu.memory_space<semaphore_mem>> -> memref<1x!tpu.dma_semaphore, #tpu.memory_space<semaphore_mem>>
        %dma_start3A_356 = tpu.memref_squeeze %dma_start3A_355 : memref<1x!tpu.dma_semaphore, #tpu.memory_space<semaphore_mem>> -> memref<!tpu.dma_semaphore, #tpu.memory_space<semaphore_mem>>
        %dma_start3A_357 = arith.constant 0 : i32
        %dma_start3A_358 = tpu.memref_slice %arg9[%dma_start3A_349, %dma_start3A_357] : memref<2x128xi32, #tpu.memory_space<vmem>> -> memref<1x128xi32, #tpu.memory_space<vmem>>
        %dma_start3A_359 = tpu.memref_squeeze %dma_start3A_358 : memref<1x128xi32, #tpu.memory_space<vmem>> -> memref<128xi32, #tpu.memory_space<vmem>>
        %dma_start3A_360 = tpu.memref_slice %arg2[%add3A_348] : memref<819200xi32, #tpu.memory_space<hbm>> -> memref<128xi32, #tpu.memory_space<hbm>>
        tpu.enqueue_dma source(%dma_start3A_360 : memref<128xi32, #tpu.memory_space<hbm>>) target(%dma_start3A_359 : memref<128xi32, #tpu.memory_space<vmem>>) target_semaphore(%dma_start3A_356 : memref<!tpu.dma_semaphore, #tpu.memory_space<semaphore_mem>>)
        %dma_start3A_361 = arith.constant 0 : i32
        %dma_start3A_362 = arith.constant 0 : i32
        %dma_start3A_363 = arith.constant 0 : i32
        %dma_start3A_364 = tpu.memref_slice %arg10[%dma_start3A_361, %dma_start3A_363] : memref<2x128xi32, #tpu.memory_space<vmem>> -> memref<1x128xi32, #tpu.memory_space<vmem>>
        %dma_start3A_365 = tpu.memref_squeeze %dma_start3A_364 : memref<1x128xi32, #tpu.memory_space<vmem>> -> memref<128xi32, #tpu.memory_space<vmem>>
        %dma_start3A_366 = tpu.memref_slice %arg3[%add3A_348] : memref<819200xi32, #tpu.memory_space<hbm>> -> memref<128xi32, #tpu.memory_space<hbm>>
        %dma_start3A_367 = tpu.memref_slice %arg16[%dma_start3A_362] : memref<2x!tpu.dma_semaphore, #tpu.memory_space<semaphore_mem>> -> memref<1x!tpu.dma_semaphore, #tpu.memory_space<semaphore_mem>>
        %dma_start3A_368 = tpu.memref_squeeze %dma_start3A_367 : memref<1x!tpu.dma_semaphore, #tpu.memory_space<semaphore_mem>> -> memref<!tpu.dma_semaphore, #tpu.memory_space<semaphore_mem>>
        %dma_start3A_369 = arith.constant 0 : i32
        %dma_start3A_370 = tpu.memref_slice %arg10[%dma_start3A_361, %dma_start3A_369] : memref<2x128xi32, #tpu.memory_space<vmem>> -> memref<1x128xi32, #tpu.memory_space<vmem>>
        %dma_start3A_371 = tpu.memref_squeeze %dma_start3A_370 : memref<1x128xi32, #tpu.memory_space<vmem>> -> memref<128xi32, #tpu.memory_space<vmem>>
        %dma_start3A_372 = tpu.memref_slice %arg3[%add3A_348] : memref<819200xi32, #tpu.memory_space<hbm>> -> memref<128xi32, #tpu.memory_space<hbm>>
        tpu.enqueue_dma source(%dma_start3A_372 : memref<128xi32, #tpu.memory_space<hbm>>) target(%dma_start3A_371 : memref<128xi32, #tpu.memory_space<vmem>>) target_semaphore(%dma_start3A_368 : memref<!tpu.dma_semaphore, #tpu.memory_space<semaphore_mem>>)
      } else {
      }
      %gt3A = arith.constant 0 : i32
      %gt3A_242 = arith.cmpi sgt, %scan3A_194, %gt3A : i32
      %convert_element_type3A_243 = arith.extui %gt3A_242 : i1 to i32
      %cond3A_244 = arith.constant 0 : i32
      %cond3A_245 = arith.cmpi ne, %convert_element_type3A_243, %cond3A_244 : i32
      scf.if %cond3A_245 {
        %dma_wait3A_344 = arith.constant 0 : i32
        %dma_wait3A_345 = arith.constant 0 : i32
        %dma_wait3A_346 = arith.constant 0 : i32
        %dma_wait3A_347 = arith.constant 0 : i32
        %dma_wait3A_348 = tpu.memref_slice %arg13[%dma_wait3A_344, %dma_wait3A_346, %dma_wait3A_347] : memref<2x128x128xf32, #tpu.memory_space<vmem>> -> memref<1x128x128xf32, #tpu.memory_space<vmem>>
        %dma_wait3A_349 = tpu.memref_squeeze %dma_wait3A_348 : memref<1x128x128xf32, #tpu.memory_space<vmem>> -> memref<128x128xf32, #tpu.memory_space<vmem>>
        %dma_wait3A_350 = arith.constant 0 : i32
        %dma_wait3A_351 = arith.constant 0 : i32
        %dma_wait3A_352 = tpu.memref_slice %arg8[%dma_wait3A_350, %dma_wait3A_351] : memref<819200x128xf32, #tpu.memory_space<hbm>> -> memref<128x128xf32, #tpu.memory_space<hbm>>
        %dma_wait3A_353 = tpu.memref_slice %arg18[%dma_wait3A_345] : memref<2x!tpu.dma_semaphore, #tpu.memory_space<semaphore_mem>> -> memref<1x!tpu.dma_semaphore, #tpu.memory_space<semaphore_mem>>
        %dma_wait3A_354 = tpu.memref_squeeze %dma_wait3A_353 : memref<1x!tpu.dma_semaphore, #tpu.memory_space<semaphore_mem>> -> memref<!tpu.dma_semaphore, #tpu.memory_space<semaphore_mem>>
        %dma_wait3A_355 = arith.constant 0 : i32
        %dma_wait3A_356 = arith.constant 0 : i32
        %dma_wait3A_357 = tpu.memref_slice %arg8[%dma_wait3A_355, %dma_wait3A_356] : memref<819200x128xf32, #tpu.memory_space<hbm>> -> memref<128x128xf32, #tpu.memory_space<hbm>>
        %dma_wait3A_358 = arith.constant 0 : i32
        %dma_wait3A_359 = arith.constant 0 : i32
        %dma_wait3A_360 = tpu.memref_slice %arg13[%dma_wait3A_344, %dma_wait3A_358, %dma_wait3A_359] : memref<2x128x128xf32, #tpu.memory_space<vmem>> -> memref<1x128x128xf32, #tpu.memory_space<vmem>>
        %dma_wait3A_361 = tpu.memref_squeeze %dma_wait3A_360 : memref<1x128x128xf32, #tpu.memory_space<vmem>> -> memref<128x128xf32, #tpu.memory_space<vmem>>
        tpu.wait_dma2 semaphore(%dma_wait3A_354 : memref<!tpu.dma_semaphore, #tpu.memory_space<semaphore_mem>>) src(%dma_wait3A_361 : memref<128x128xf32, #tpu.memory_space<vmem>>) dst(%dma_wait3A_357 : memref<128x128xf32, #tpu.memory_space<hbm>>)
      } else {
      }
      %parallel_loop3A = arith.constant 0 : i32
      %parallel_loop3A_246 = arith.constant 128 : i32
      %parallel_loop3A_247 = arith.constant 1 : i32
      scf.for %parallel_loop3A_344 = %parallel_loop3A to %parallel_loop3A_246 step %parallel_loop3A_247  : i32 {
        %parallel_loop3A_345 = arith.constant 0 : i32
        %parallel_loop3A_346 = arith.index_cast %parallel_loop3A_345 : i32 to index
        %parallel_loop3A_347 = arith.index_cast %parallel_loop3A_344 : i32 to index
        %parallel_loop3A_348 = arith.constant 0 : index
        %parallel_loop3A_349 = tpu.vector_load %arg11[%parallel_loop3A_346, %parallel_loop3A_347, %parallel_loop3A_348] {strides = array<i32>} : memref<2x128x128xf32, #tpu.memory_space<vmem>>, vector<16xf32>,
        %parallel_loop3A_350 = arith.constant 0 : i32
        %parallel_loop3A_351 = arith.index_cast %parallel_loop3A_350 : i32 to index
        %parallel_loop3A_352 = arith.index_cast %parallel_loop3A_344 : i32 to index
        %parallel_loop3A_353 = arith.constant 0 : index
        %parallel_loop3A_354 = tpu.vector_load %arg12[%parallel_loop3A_351, %parallel_loop3A_352, %parallel_loop3A_353] {strides = array<i32>} : memref<2x128x128xf32, #tpu.memory_space<vmem>>, vector<16xf32>,
        %parallel_loop3A_355 = arith.addf %parallel_loop3A_349, %parallel_loop3A_354 : vector<16xf32>
        %parallel_loop3A_356 = arith.constant 0 : i32
        %parallel_loop3A_357 = arith.index_cast %parallel_loop3A_356 : i32 to index
        %parallel_loop3A_358 = arith.index_cast %parallel_loop3A_344 : i32 to index
        %parallel_loop3A_359 = arith.constant 16 : index
        %parallel_loop3A_360 = tpu.vector_load %arg11[%parallel_loop3A_357, %parallel_loop3A_358, %parallel_loop3A_359] {strides = array<i32>} : memref<2x128x128xf32, #tpu.memory_space<vmem>>, vector<16xf32>,
        %parallel_loop3A_361 = arith.constant 0 : i32
        %parallel_loop3A_362 = arith.index_cast %parallel_loop3A_361 : i32 to index
        %parallel_loop3A_363 = arith.index_cast %parallel_loop3A_344 : i32 to index
        %parallel_loop3A_364 = arith.constant 16 : index
        %parallel_loop3A_365 = tpu.vector_load %arg12[%parallel_loop3A_362, %parallel_loop3A_363, %parallel_loop3A_364] {strides = array<i32>} : memref<2x128x128xf32, #tpu.memory_space<vmem>>, vector<16xf32>,
        %parallel_loop3A_366 = arith.addf %parallel_loop3A_360, %parallel_loop3A_365 : vector<16xf32>
        %parallel_loop3A_367 = arith.constant 0 : i32
        %parallel_loop3A_368 = arith.index_cast %parallel_loop3A_367 : i32 to index
        %parallel_loop3A_369 = arith.index_cast %parallel_loop3A_344 : i32 to index
        %parallel_loop3A_370 = arith.constant 32 : index
        %parallel_loop3A_371 = tpu.vector_load %arg11[%parallel_loop3A_368, %parallel_loop3A_369, %parallel_loop3A_370] {strides = array<i32>} : memref<2x128x128xf32, #tpu.memory_space<vmem>>, vector<16xf32>,
        %parallel_loop3A_372 = arith.constant 0 : i32
        %parallel_loop3A_373 = arith.index_cast %parallel_loop3A_372 : i32 to index
        %parallel_loop3A_374 = arith.index_cast %parallel_loop3A_344 : i32 to index
        %parallel_loop3A_375 = arith.constant 32 : index
        %parallel_loop3A_376 = tpu.vector_load %arg12[%parallel_loop3A_373, %parallel_loop3A_374, %parallel_loop3A_375] {strides = array<i32>} : memref<2x128x128xf32, #tpu.memory_space<vmem>>, vector<16xf32>,
        %parallel_loop3A_377 = arith.addf %parallel_loop3A_371, %parallel_loop3A_376 : vector<16xf32>
        %parallel_loop3A_378 = arith.constant 0 : i32
        %parallel_loop3A_379 = arith.index_cast %parallel_loop3A_378 : i32 to index
        %parallel_loop3A_380 = arith.index_cast %parallel_loop3A_344 : i32 to index
        %parallel_loop3A_381 = arith.constant 48 : index
        %parallel_loop3A_382 = tpu.vector_load %arg11[%parallel_loop3A_379, %parallel_loop3A_380, %parallel_loop3A_381] {strides = array<i32>} : memref<2x128x128xf32, #tpu.memory_space<vmem>>, vector<16xf32>,
        %parallel_loop3A_383 = arith.constant 0 : i32
        %parallel_loop3A_384 = arith.index_cast %parallel_loop3A_383 : i32 to index
        %parallel_loop3A_385 = arith.index_cast %parallel_loop3A_344 : i32 to index
        %parallel_loop3A_386 = arith.constant 48 : index
        %parallel_loop3A_387 = tpu.vector_load %arg12[%parallel_loop3A_384, %parallel_loop3A_385, %parallel_loop3A_386] {strides = array<i32>} : memref<2x128x128xf32, #tpu.memory_space<vmem>>, vector<16xf32>,
        %parallel_loop3A_388 = arith.addf %parallel_loop3A_382, %parallel_loop3A_387 : vector<16xf32>
        %parallel_loop3A_389 = arith.constant 0 : i32
        %parallel_loop3A_390 = arith.index_cast %parallel_loop3A_389 : i32 to index
        %parallel_loop3A_391 = arith.index_cast %parallel_loop3A_344 : i32 to index
        %parallel_loop3A_392 = arith.constant 64 : index
        %parallel_loop3A_393 = tpu.vector_load %arg11[%parallel_loop3A_390, %parallel_loop3A_391, %parallel_loop3A_392] {strides = array<i32>} : memref<2x128x128xf32, #tpu.memory_space<vmem>>, vector<16xf32>,
        %parallel_loop3A_394 = arith.constant 0 : i32
        %parallel_loop3A_395 = arith.index_cast %parallel_loop3A_394 : i32 to index
        %parallel_loop3A_396 = arith.index_cast %parallel_loop3A_344 : i32 to index
        %parallel_loop3A_397 = arith.constant 64 : index
        %parallel_loop3A_398 = tpu.vector_load %arg12[%parallel_loop3A_395, %parallel_loop3A_396, %parallel_loop3A_397] {strides = array<i32>} : memref<2x128x128xf32, #tpu.memory_space<vmem>>, vector<16xf32>,
        %parallel_loop3A_399 = arith.addf %parallel_loop3A_393, %parallel_loop3A_398 : vector<16xf32>
        %parallel_loop3A_400 = arith.constant 0 : i32
        %parallel_loop3A_401 = arith.index_cast %parallel_loop3A_400 : i32 to index
        %parallel_loop3A_402 = arith.index_cast %parallel_loop3A_344 : i32 to index
        %parallel_loop3A_403 = arith.constant 80 : index
        %parallel_loop3A_404 = tpu.vector_load %arg11[%parallel_loop3A_401, %parallel_loop3A_402, %parallel_loop3A_403] {strides = array<i32>} : memref<2x128x128xf32, #tpu.memory_space<vmem>>, vector<16xf32>,
        %parallel_loop3A_405 = arith.constant 0 : i32
        %parallel_loop3A_406 = arith.index_cast %parallel_loop3A_405 : i32 to index
        %parallel_loop3A_407 = arith.index_cast %parallel_loop3A_344 : i32 to index
        %parallel_loop3A_408 = arith.constant 80 : index
        %parallel_loop3A_409 = tpu.vector_load %arg12[%parallel_loop3A_406, %parallel_loop3A_407, %parallel_loop3A_408] {strides = array<i32>} : memref<2x128x128xf32, #tpu.memory_space<vmem>>, vector<16xf32>,
        %parallel_loop3A_410 = arith.addf %parallel_loop3A_404, %parallel_loop3A_409 : vector<16xf32>
        %parallel_loop3A_411 = arith.constant 0 : i32
        %parallel_loop3A_412 = arith.index_cast %parallel_loop3A_411 : i32 to index
        %parallel_loop3A_413 = arith.index_cast %parallel_loop3A_344 : i32 to index
        %parallel_loop3A_414 = arith.constant 96 : index
        %parallel_loop3A_415 = tpu.vector_load %arg11[%parallel_loop3A_412, %parallel_loop3A_413, %parallel_loop3A_414] {strides = array<i32>} : memref<2x128x128xf32, #tpu.memory_space<vmem>>, vector<16xf32>,
        %parallel_loop3A_416 = arith.constant 0 : i32
        %parallel_loop3A_417 = arith.index_cast %parallel_loop3A_416 : i32 to index
        %parallel_loop3A_418 = arith.index_cast %parallel_loop3A_344 : i32 to index
        %parallel_loop3A_419 = arith.constant 96 : index
        %parallel_loop3A_420 = tpu.vector_load %arg12[%parallel_loop3A_417, %parallel_loop3A_418, %parallel_loop3A_419] {strides = array<i32>} : memref<2x128x128xf32, #tpu.memory_space<vmem>>, vector<16xf32>,
        %parallel_loop3A_421 = arith.addf %parallel_loop3A_415, %parallel_loop3A_420 : vector<16xf32>
        %parallel_loop3A_422 = arith.constant 0 : i32
        %parallel_loop3A_423 = arith.index_cast %parallel_loop3A_422 : i32 to index
        %parallel_loop3A_424 = arith.index_cast %parallel_loop3A_344 : i32 to index
        %parallel_loop3A_425 = arith.constant 112 : index
        %parallel_loop3A_426 = tpu.vector_load %arg11[%parallel_loop3A_423, %parallel_loop3A_424, %parallel_loop3A_425] {strides = array<i32>} : memref<2x128x128xf32, #tpu.memory_space<vmem>>, vector<16xf32>,
        %parallel_loop3A_427 = arith.constant 0 : i32
        %parallel_loop3A_428 = arith.index_cast %parallel_loop3A_427 : i32 to index
        %parallel_loop3A_429 = arith.index_cast %parallel_loop3A_344 : i32 to index
        %parallel_loop3A_430 = arith.constant 112 : index
        %parallel_loop3A_431 = tpu.vector_load %arg12[%parallel_loop3A_428, %parallel_loop3A_429, %parallel_loop3A_430] {strides = array<i32>} : memref<2x128x128xf32, #tpu.memory_space<vmem>>, vector<16xf32>,
        %parallel_loop3A_432 = arith.addf %parallel_loop3A_426, %parallel_loop3A_431 : vector<16xf32>
        %parallel_loop3A_433 = arith.addf %parallel_loop3A_355, %parallel_loop3A_366 : vector<16xf32>
        %parallel_loop3A_434 = arith.addf %parallel_loop3A_377, %parallel_loop3A_388 : vector<16xf32>
        %parallel_loop3A_435 = arith.addf %parallel_loop3A_399, %parallel_loop3A_410 : vector<16xf32>
        %parallel_loop3A_436 = arith.addf %parallel_loop3A_421, %parallel_loop3A_432 : vector<16xf32>
        %parallel_loop3A_437 = arith.addf %parallel_loop3A_433, %parallel_loop3A_434 : vector<16xf32>
        %parallel_loop3A_438 = arith.addf %parallel_loop3A_435, %parallel_loop3A_436 : vector<16xf32>
        %parallel_loop3A_439 = arith.addf %parallel_loop3A_437, %parallel_loop3A_438 : vector<16xf32>
        %parallel_loop3A_440 = arith.mulf %parallel_loop3A_355, %parallel_loop3A_355 : vector<16xf32>
        %parallel_loop3A_441 = arith.mulf %parallel_loop3A_366, %parallel_loop3A_366 : vector<16xf32>
        %parallel_loop3A_442 = arith.mulf %parallel_loop3A_377, %parallel_loop3A_377 : vector<16xf32>
        %parallel_loop3A_443 = arith.mulf %parallel_loop3A_388, %parallel_loop3A_388 : vector<16xf32>
        %parallel_loop3A_444 = arith.mulf %parallel_loop3A_399, %parallel_loop3A_399 : vector<16xf32>
        %parallel_loop3A_445 = arith.mulf %parallel_loop3A_410, %parallel_loop3A_410 : vector<16xf32>
        %parallel_loop3A_446 = arith.mulf %parallel_loop3A_421, %parallel_loop3A_421 : vector<16xf32>
        %parallel_loop3A_447 = arith.mulf %parallel_loop3A_432, %parallel_loop3A_432 : vector<16xf32>
        %parallel_loop3A_448 = arith.addf %parallel_loop3A_440, %parallel_loop3A_441 : vector<16xf32>
        %parallel_loop3A_449 = arith.addf %parallel_loop3A_442, %parallel_loop3A_443 : vector<16xf32>
        %parallel_loop3A_450 = arith.addf %parallel_loop3A_444, %parallel_loop3A_445 : vector<16xf32>
        %parallel_loop3A_451 = arith.addf %parallel_loop3A_446, %parallel_loop3A_447 : vector<16xf32>
        %parallel_loop3A_452 = arith.addf %parallel_loop3A_448, %parallel_loop3A_449 : vector<16xf32>
        %parallel_loop3A_453 = arith.addf %parallel_loop3A_450, %parallel_loop3A_451 : vector<16xf32>
        %parallel_loop3A_454 = arith.addf %parallel_loop3A_452, %parallel_loop3A_453 : vector<16xf32>
        %parallel_loop3A_455 = arith.constant true
        %parallel_loop3A_456 = vector.broadcast %parallel_loop3A_455 : i1 to vector<16xi1>
        %parallel_loop3A_457 = tpu.scan <sum>, %parallel_loop3A_439 masked %parallel_loop3A_456 : vector<16xf32>, vector<16xi1> -> vector<16xf32>
        %parallel_loop3A_458 = vector.shape_cast %broadcast_in_dim3A_34 : vector<16xi32> to vector<16x1xi32>
        %parallel_loop3A_459 = vector.shape_cast %parallel_loop3A_458 : vector<16x1xi32> to vector<16xi32>
        %parallel_loop3A_460 = tpu.dynamic_gather %parallel_loop3A_457[%parallel_loop3A_459] in [0] : vector<16xf32>, vector<16xi32> -> vector<16xf32>
        %parallel_loop3A_461 = arith.constant true
        %parallel_loop3A_462 = vector.broadcast %parallel_loop3A_461 : i1 to vector<16xi1>
        %parallel_loop3A_463 = tpu.scan <sum>, %parallel_loop3A_454 masked %parallel_loop3A_462 : vector<16xf32>, vector<16xi1> -> vector<16xf32>
        %parallel_loop3A_464 = vector.shape_cast %broadcast_in_dim3A_34 : vector<16xi32> to vector<16x1xi32>
        %parallel_loop3A_465 = vector.shape_cast %parallel_loop3A_464 : vector<16x1xi32> to vector<16xi32>
        %parallel_loop3A_466 = tpu.dynamic_gather %parallel_loop3A_463[%parallel_loop3A_465] in [0] : vector<16xf32>, vector<16xi32> -> vector<16xf32>
        %parallel_loop3A_467 = arith.mulf %parallel_loop3A_460, %broadcast_in_dim3A_36 : vector<16xf32>
        %parallel_loop3A_468 = arith.mulf %parallel_loop3A_466, %broadcast_in_dim3A_36 : vector<16xf32>
        %parallel_loop3A_469 = arith.mulf %parallel_loop3A_467, %parallel_loop3A_467 : vector<16xf32>
        %parallel_loop3A_470 = arith.subf %parallel_loop3A_468, %parallel_loop3A_469 : vector<16xf32>
        %parallel_loop3A_471 = arith.addf %parallel_loop3A_470, %broadcast_in_dim3A_38 : vector<16xf32>
        %parallel_loop3A_472 = vector.bitcast %parallel_loop3A_471 : vector<16xf32> to vector<16xi32>
        %parallel_loop3A_473 = arith.constant 1 : i32
        %parallel_loop3A_474 = vector.broadcast %parallel_loop3A_473 : i32 to vector<16xi32>
        %parallel_loop3A_475 = arith.shrsi %parallel_loop3A_472, %parallel_loop3A_474 : vector<16xi32>
        %parallel_loop3A_476 = arith.subi %broadcast_in_dim3A_40, %parallel_loop3A_475 : vector<16xi32>
        %parallel_loop3A_477 = vector.bitcast %parallel_loop3A_476 : vector<16xi32> to vector<16xf32>
        %parallel_loop3A_478 = arith.mulf %broadcast_in_dim3A_44, %parallel_loop3A_471 : vector<16xf32>
        %parallel_loop3A_479 = arith.mulf %parallel_loop3A_477, %parallel_loop3A_477 : vector<16xf32>
        %parallel_loop3A_480 = arith.mulf %parallel_loop3A_478, %parallel_loop3A_479 : vector<16xf32>
        %parallel_loop3A_481 = arith.subf %broadcast_in_dim3A_42, %parallel_loop3A_480 : vector<16xf32>
        %parallel_loop3A_482 = arith.mulf %parallel_loop3A_477, %parallel_loop3A_481 : vector<16xf32>
        %parallel_loop3A_483 = arith.subf %parallel_loop3A_355, %parallel_loop3A_467 : vector<16xf32>
        %parallel_loop3A_484 = arith.mulf %parallel_loop3A_483, %parallel_loop3A_482 : vector<16xf32>
        %parallel_loop3A_485 = arith.mulf %parallel_loop3A_484, %get3A_3 : vector<16xf32>
        %parallel_loop3A_486 = arith.addf %parallel_loop3A_485, %get3A_19 : vector<16xf32>
        %parallel_loop3A_487 = arith.constant 0 : i32
        %parallel_loop3A_488 = arith.index_cast %parallel_loop3A_487 : i32 to index
        %parallel_loop3A_489 = arith.index_cast %parallel_loop3A_344 : i32 to index
        %parallel_loop3A_490 = arith.constant 0 : index
        %parallel_loop3A_491 = tpu.vector_load %arg13[%parallel_loop3A_488, %parallel_loop3A_489, %parallel_loop3A_490] {strides = array<i32>} : memref<2x128x128xf32, #tpu.memory_space<vmem>>, vector<16xf32>,
        tpu.vector_store %arg13[%parallel_loop3A_488, %parallel_loop3A_489, %parallel_loop3A_490], %parallel_loop3A_486 {strides = array<i32>} : memref<2x128x128xf32, #tpu.memory_space<vmem>>, vector<16xf32>,
        %parallel_loop3A_492 = arith.subf %parallel_loop3A_366, %parallel_loop3A_467 : vector<16xf32>
        %parallel_loop3A_493 = arith.mulf %parallel_loop3A_492, %parallel_loop3A_482 : vector<16xf32>
        %parallel_loop3A_494 = arith.mulf %parallel_loop3A_493, %get3A_5 : vector<16xf32>
        %parallel_loop3A_495 = arith.addf %parallel_loop3A_494, %get3A_21 : vector<16xf32>
        %parallel_loop3A_496 = arith.constant 0 : i32
        %parallel_loop3A_497 = arith.index_cast %parallel_loop3A_496 : i32 to index
        %parallel_loop3A_498 = arith.index_cast %parallel_loop3A_344 : i32 to index
        %parallel_loop3A_499 = arith.constant 16 : index
        %parallel_loop3A_500 = tpu.vector_load %arg13[%parallel_loop3A_497, %parallel_loop3A_498, %parallel_loop3A_499] {strides = array<i32>} : memref<2x128x128xf32, #tpu.memory_space<vmem>>, vector<16xf32>,
        tpu.vector_store %arg13[%parallel_loop3A_497, %parallel_loop3A_498, %parallel_loop3A_499], %parallel_loop3A_495 {strides = array<i32>} : memref<2x128x128xf32, #tpu.memory_space<vmem>>, vector<16xf32>,
        %parallel_loop3A_501 = arith.subf %parallel_loop3A_377, %parallel_loop3A_467 : vector<16xf32>
        %parallel_loop3A_502 = arith.mulf %parallel_loop3A_501, %parallel_loop3A_482 : vector<16xf32>
        %parallel_loop3A_503 = arith.mulf %parallel_loop3A_502, %get3A_7 : vector<16xf32>
        %parallel_loop3A_504 = arith.addf %parallel_loop3A_503, %get3A_23 : vector<16xf32>
        %parallel_loop3A_505 = arith.constant 0 : i32
        %parallel_loop3A_506 = arith.index_cast %parallel_loop3A_505 : i32 to index
        %parallel_loop3A_507 = arith.index_cast %parallel_loop3A_344 : i32 to index
        %parallel_loop3A_508 = arith.constant 32 : index
        %parallel_loop3A_509 = tpu.vector_load %arg13[%parallel_loop3A_506, %parallel_loop3A_507, %parallel_loop3A_508] {strides = array<i32>} : memref<2x128x128xf32, #tpu.memory_space<vmem>>, vector<16xf32>,
        tpu.vector_store %arg13[%parallel_loop3A_506, %parallel_loop3A_507, %parallel_loop3A_508], %parallel_loop3A_504 {strides = array<i32>} : memref<2x128x128xf32, #tpu.memory_space<vmem>>, vector<16xf32>,
        %parallel_loop3A_510 = arith.subf %parallel_loop3A_388, %parallel_loop3A_467 : vector<16xf32>
        %parallel_loop3A_511 = arith.mulf %parallel_loop3A_510, %parallel_loop3A_482 : vector<16xf32>
        %parallel_loop3A_512 = arith.mulf %parallel_loop3A_511, %get3A_9 : vector<16xf32>
        %parallel_loop3A_513 = arith.addf %parallel_loop3A_512, %get3A_25 : vector<16xf32>
        %parallel_loop3A_514 = arith.constant 0 : i32
        %parallel_loop3A_515 = arith.index_cast %parallel_loop3A_514 : i32 to index
        %parallel_loop3A_516 = arith.index_cast %parallel_loop3A_344 : i32 to index
        %parallel_loop3A_517 = arith.constant 48 : index
        %parallel_loop3A_518 = tpu.vector_load %arg13[%parallel_loop3A_515, %parallel_loop3A_516, %parallel_loop3A_517] {strides = array<i32>} : memref<2x128x128xf32, #tpu.memory_space<vmem>>, vector<16xf32>,
        tpu.vector_store %arg13[%parallel_loop3A_515, %parallel_loop3A_516, %parallel_loop3A_517], %parallel_loop3A_513 {strides = array<i32>} : memref<2x128x128xf32, #tpu.memory_space<vmem>>, vector<16xf32>,
        %parallel_loop3A_519 = arith.subf %parallel_loop3A_399, %parallel_loop3A_467 : vector<16xf32>
        %parallel_loop3A_520 = arith.mulf %parallel_loop3A_519, %parallel_loop3A_482 : vector<16xf32>
        %parallel_loop3A_521 = arith.mulf %parallel_loop3A_520, %get3A_11 : vector<16xf32>
        %parallel_loop3A_522 = arith.addf %parallel_loop3A_521, %get3A_27 : vector<16xf32>
        %parallel_loop3A_523 = arith.constant 0 : i32
        %parallel_loop3A_524 = arith.index_cast %parallel_loop3A_523 : i32 to index
        %parallel_loop3A_525 = arith.index_cast %parallel_loop3A_344 : i32 to index
        %parallel_loop3A_526 = arith.constant 64 : index
        %parallel_loop3A_527 = tpu.vector_load %arg13[%parallel_loop3A_524, %parallel_loop3A_525, %parallel_loop3A_526] {strides = array<i32>} : memref<2x128x128xf32, #tpu.memory_space<vmem>>, vector<16xf32>,
        tpu.vector_store %arg13[%parallel_loop3A_524, %parallel_loop3A_525, %parallel_loop3A_526], %parallel_loop3A_522 {strides = array<i32>} : memref<2x128x128xf32, #tpu.memory_space<vmem>>, vector<16xf32>,
        %parallel_loop3A_528 = arith.subf %parallel_loop3A_410, %parallel_loop3A_467 : vector<16xf32>
        %parallel_loop3A_529 = arith.mulf %parallel_loop3A_528, %parallel_loop3A_482 : vector<16xf32>
        %parallel_loop3A_530 = arith.mulf %parallel_loop3A_529, %get3A_13 : vector<16xf32>
        %parallel_loop3A_531 = arith.addf %parallel_loop3A_530, %get3A_29 : vector<16xf32>
        %parallel_loop3A_532 = arith.constant 0 : i32
        %parallel_loop3A_533 = arith.index_cast %parallel_loop3A_532 : i32 to index
        %parallel_loop3A_534 = arith.index_cast %parallel_loop3A_344 : i32 to index
        %parallel_loop3A_535 = arith.constant 80 : index
        %parallel_loop3A_536 = tpu.vector_load %arg13[%parallel_loop3A_533, %parallel_loop3A_534, %parallel_loop3A_535] {strides = array<i32>} : memref<2x128x128xf32, #tpu.memory_space<vmem>>, vector<16xf32>,
        tpu.vector_store %arg13[%parallel_loop3A_533, %parallel_loop3A_534, %parallel_loop3A_535], %parallel_loop3A_531 {strides = array<i32>} : memref<2x128x128xf32, #tpu.memory_space<vmem>>, vector<16xf32>,
        %parallel_loop3A_537 = arith.subf %parallel_loop3A_421, %parallel_loop3A_467 : vector<16xf32>
        %parallel_loop3A_538 = arith.mulf %parallel_loop3A_537, %parallel_loop3A_482 : vector<16xf32>
        %parallel_loop3A_539 = arith.mulf %parallel_loop3A_538, %get3A_15 : vector<16xf32>
        %parallel_loop3A_540 = arith.addf %parallel_loop3A_539, %get3A_31 : vector<16xf32>
        %parallel_loop3A_541 = arith.constant 0 : i32
        %parallel_loop3A_542 = arith.index_cast %parallel_loop3A_541 : i32 to index
        %parallel_loop3A_543 = arith.index_cast %parallel_loop3A_344 : i32 to index
        %parallel_loop3A_544 = arith.constant 96 : index
        %parallel_loop3A_545 = tpu.vector_load %arg13[%parallel_loop3A_542, %parallel_loop3A_543, %parallel_loop3A_544] {strides = array<i32>} : memref<2x128x128xf32, #tpu.memory_space<vmem>>, vector<16xf32>,
        tpu.vector_store %arg13[%parallel_loop3A_542, %parallel_loop3A_543, %parallel_loop3A_544], %parallel_loop3A_540 {strides = array<i32>} : memref<2x128x128xf32, #tpu.memory_space<vmem>>, vector<16xf32>,
        %parallel_loop3A_546 = arith.subf %parallel_loop3A_432, %parallel_loop3A_467 : vector<16xf32>
        %parallel_loop3A_547 = arith.mulf %parallel_loop3A_546, %parallel_loop3A_482 : vector<16xf32>
        %parallel_loop3A_548 = arith.mulf %parallel_loop3A_547, %get3A_17 : vector<16xf32>
        %parallel_loop3A_549 = arith.addf %parallel_loop3A_548, %get3A_33 : vector<16xf32>
        %parallel_loop3A_550 = arith.constant 0 : i32
        %parallel_loop3A_551 = arith.index_cast %parallel_loop3A_550 : i32 to index
        %parallel_loop3A_552 = arith.index_cast %parallel_loop3A_344 : i32 to index
        %parallel_loop3A_553 = arith.constant 112 : index
        %parallel_loop3A_554 = tpu.vector_load %arg13[%parallel_loop3A_551, %parallel_loop3A_552, %parallel_loop3A_553] {strides = array<i32>} : memref<2x128x128xf32, #tpu.memory_space<vmem>>, vector<16xf32>,
        tpu.vector_store %arg13[%parallel_loop3A_551, %parallel_loop3A_552, %parallel_loop3A_553], %parallel_loop3A_549 {strides = array<i32>} : memref<2x128x128xf32, #tpu.memory_space<vmem>>, vector<16xf32>,
      } {sc.loop_unroll_factor = 1 : i64, sc.parallel_access}
      %mul3A_248 = arith.constant 128 : i32
      %mul3A_249 = arith.muli %add3A_198, %mul3A_248 : i32
      %add3A_250 = arith.addi %mul3A_2, %mul3A_249 : i32
      %dma_start3A_251 = arith.constant 0 : i32
      %dma_start3A_252 = arith.constant 0 : i32
      %dma_start3A_253 = arith.constant 0 : i32
      %dma_start3A_254 = arith.constant 0 : i32
      %dma_start3A_255 = tpu.memref_slice %arg13[%dma_start3A_251, %dma_start3A_253, %dma_start3A_254] : memref<2x128x128xf32, #tpu.memory_space<vmem>> -> memref<1x128x128xf32, #tpu.memory_space<vmem>>
      %dma_start3A_256 = tpu.memref_squeeze %dma_start3A_255 : memref<1x128x128xf32, #tpu.memory_space<vmem>> -> memref<128x128xf32, #tpu.memory_space<vmem>>
      %dma_start3A_257 = arith.constant 0 : i32
      %dma_start3A_258 = tpu.memref_slice %arg8[%add3A_250, %dma_start3A_257] : memref<819200x128xf32, #tpu.memory_space<hbm>> -> memref<128x128xf32, #tpu.memory_space<hbm>>
      %dma_start3A_259 = tpu.memref_slice %arg18[%dma_start3A_252] : memref<2x!tpu.dma_semaphore, #tpu.memory_space<semaphore_mem>> -> memref<1x!tpu.dma_semaphore, #tpu.memory_space<semaphore_mem>>
      %dma_start3A_260 = tpu.memref_squeeze %dma_start3A_259 : memref<1x!tpu.dma_semaphore, #tpu.memory_space<semaphore_mem>> -> memref<!tpu.dma_semaphore, #tpu.memory_space<semaphore_mem>>
      %dma_start3A_261 = arith.constant 0 : i32
      %dma_start3A_262 = tpu.memref_slice %arg8[%add3A_250, %dma_start3A_261] : memref<819200x128xf32, #tpu.memory_space<hbm>> -> memref<128x128xf32, #tpu.memory_space<hbm>>
      %dma_start3A_263 = arith.constant 0 : i32
      %dma_start3A_264 = arith.constant 0 : i32
      %dma_start3A_265 = tpu.memref_slice %arg13[%dma_start3A_251, %dma_start3A_263, %dma_start3A_264] : memref<2x128x128xf32, #tpu.memory_space<vmem>> -> memref<1x128x128xf32, #tpu.memory_space<vmem>>
      %dma_start3A_266 = tpu.memref_squeeze %dma_start3A_265 : memref<1x128x128xf32, #tpu.memory_space<vmem>> -> memref<128x128xf32, #tpu.memory_space<vmem>>
      tpu.enqueue_dma source(%dma_start3A_266 : memref<128x128xf32, #tpu.memory_space<vmem>>) target(%dma_start3A_262 : memref<128x128xf32, #tpu.memory_space<hbm>>) target_semaphore(%dma_start3A_260 : memref<!tpu.dma_semaphore, #tpu.memory_space<semaphore_mem>>)
      %mul3A_267 = arith.constant 2 : i32
      %mul3A_268 = arith.muli %scan3A_194, %mul3A_267 : i32
      %add3A_269 = arith.constant 1 : i32
      %add3A_270 = arith.addi %mul3A_268, %add3A_269 : i32
      %lt3A_271 = arith.constant 199 : i32
      %lt3A_272 = arith.cmpi slt, %add3A_270, %lt3A_271 : i32
      %convert_element_type3A_273 = arith.extui %lt3A_272 : i1 to i32
      %cond3A_274 = arith.constant 0 : i32
      %cond3A_275 = arith.cmpi ne, %convert_element_type3A_273, %cond3A_274 : i32
      scf.if %cond3A_275 {
        %dma_wait3A_344 = arith.constant 0 : i32
        %dma_wait3A_345 = arith.constant 0 : i32
        %dma_wait3A_346 = arith.constant 0 : i32
        %dma_wait3A_347 = tpu.memref_slice %arg9[%dma_wait3A_344, %dma_wait3A_346] : memref<2x128xi32, #tpu.memory_space<vmem>> -> memref<1x128xi32, #tpu.memory_space<vmem>>
        %dma_wait3A_348 = tpu.memref_squeeze %dma_wait3A_347 : memref<1x128xi32, #tpu.memory_space<vmem>> -> memref<128xi32, #tpu.memory_space<vmem>>
        %dma_wait3A_349 = arith.constant 0 : i32
        %dma_wait3A_350 = tpu.memref_slice %arg2[%dma_wait3A_349] : memref<819200xi32, #tpu.memory_space<hbm>> -> memref<128xi32, #tpu.memory_space<hbm>>
        %dma_wait3A_351 = tpu.memref_slice %arg16[%dma_wait3A_345] : memref<2x!tpu.dma_semaphore, #tpu.memory_space<semaphore_mem>> -> memref<1x!tpu.dma_semaphore, #tpu.memory_space<semaphore_mem>>
        %dma_wait3A_352 = tpu.memref_squeeze %dma_wait3A_351 : memref<1x!tpu.dma_semaphore, #tpu.memory_space<semaphore_mem>> -> memref<!tpu.dma_semaphore, #tpu.memory_space<semaphore_mem>>
        %dma_wait3A_353 = arith.constant 0 : i32
        %dma_wait3A_354 = tpu.memref_slice %arg9[%dma_wait3A_344, %dma_wait3A_353] : memref<2x128xi32, #tpu.memory_space<vmem>> -> memref<1x128xi32, #tpu.memory_space<vmem>>
        %dma_wait3A_355 = tpu.memref_squeeze %dma_wait3A_354 : memref<1x128xi32, #tpu.memory_space<vmem>> -> memref<128xi32, #tpu.memory_space<vmem>>
        %dma_wait3A_356 = arith.constant 0 : i32
        %dma_wait3A_357 = tpu.memref_slice %arg2[%dma_wait3A_356] : memref<819200xi32, #tpu.memory_space<hbm>> -> memref<128xi32, #tpu.memory_space<hbm>>
        tpu.wait_dma2 semaphore(%dma_wait3A_352 : memref<!tpu.dma_semaphore, #tpu.memory_space<semaphore_mem>>) src(%dma_wait3A_357 : memref<128xi32, #tpu.memory_space<hbm>>) dst(%dma_wait3A_355 : memref<128xi32, #tpu.memory_space<vmem>>)
        %dma_wait3A_358 = arith.constant 0 : i32
        %dma_wait3A_359 = arith.constant 0 : i32
        %dma_wait3A_360 = arith.constant 0 : i32
        %dma_wait3A_361 = tpu.memref_slice %arg10[%dma_wait3A_358, %dma_wait3A_360] : memref<2x128xi32, #tpu.memory_space<vmem>> -> memref<1x128xi32, #tpu.memory_space<vmem>>
        %dma_wait3A_362 = tpu.memref_squeeze %dma_wait3A_361 : memref<1x128xi32, #tpu.memory_space<vmem>> -> memref<128xi32, #tpu.memory_space<vmem>>
        %dma_wait3A_363 = arith.constant 0 : i32
        %dma_wait3A_364 = tpu.memref_slice %arg3[%dma_wait3A_363] : memref<819200xi32, #tpu.memory_space<hbm>> -> memref<128xi32, #tpu.memory_space<hbm>>
        %dma_wait3A_365 = tpu.memref_slice %arg16[%dma_wait3A_359] : memref<2x!tpu.dma_semaphore, #tpu.memory_space<semaphore_mem>> -> memref<1x!tpu.dma_semaphore, #tpu.memory_space<semaphore_mem>>
        %dma_wait3A_366 = tpu.memref_squeeze %dma_wait3A_365 : memref<1x!tpu.dma_semaphore, #tpu.memory_space<semaphore_mem>> -> memref<!tpu.dma_semaphore, #tpu.memory_space<semaphore_mem>>
        %dma_wait3A_367 = arith.constant 0 : i32
        %dma_wait3A_368 = tpu.memref_slice %arg10[%dma_wait3A_358, %dma_wait3A_367] : memref<2x128xi32, #tpu.memory_space<vmem>> -> memref<1x128xi32, #tpu.memory_space<vmem>>
        %dma_wait3A_369 = tpu.memref_squeeze %dma_wait3A_368 : memref<1x128xi32, #tpu.memory_space<vmem>> -> memref<128xi32, #tpu.memory_space<vmem>>
        %dma_wait3A_370 = arith.constant 0 : i32
        %dma_wait3A_371 = tpu.memref_slice %arg3[%dma_wait3A_370] : memref<819200xi32, #tpu.memory_space<hbm>> -> memref<128xi32, #tpu.memory_space<hbm>>
        tpu.wait_dma2 semaphore(%dma_wait3A_366 : memref<!tpu.dma_semaphore, #tpu.memory_space<semaphore_mem>>) src(%dma_wait3A_371 : memref<128xi32, #tpu.memory_space<hbm>>) dst(%dma_wait3A_369 : memref<128xi32, #tpu.memory_space<vmem>>)
        %dma_start3A_372 = arith.constant 0 : i32
        %dma_start3A_373 = arith.constant 0 : i32
        %dma_start3A_374 = arith.constant 0 : i32
        %dma_start3A_375 = arith.constant 0 : i32
        %dma_start3A_376 = arith.constant 0 : i32
        %dma_start3A_377 = tpu.memref_slice %arg11[%dma_start3A_373, %dma_start3A_375, %dma_start3A_376] : memref<2x128x128xf32, #tpu.memory_space<vmem>> -> memref<1x128x128xf32, #tpu.memory_space<vmem>>
        %dma_start3A_378 = tpu.memref_squeeze %dma_start3A_377 : memref<1x128x128xf32, #tpu.memory_space<vmem>> -> memref<128x128xf32, #tpu.memory_space<vmem>>
        %dma_start3A_379 = arith.constant 0 : i32
        %dma_start3A_380 = tpu.memref_slice %arg9[%dma_start3A_372, %dma_start3A_379] : memref<2x128xi32, #tpu.memory_space<vmem>> -> memref<1x128xi32, #tpu.memory_space<vmem>>
        %dma_start3A_381 = tpu.memref_squeeze %dma_start3A_380 : memref<1x128xi32, #tpu.memory_space<vmem>> -> memref<128xi32, #tpu.memory_space<vmem>>
        %dma_start3A_382 = arith.constant 0 : i32
        %dma_start3A_383 = arith.constant 0 : i32
        %dma_start3A_384 = tpu.memref_slice %arg4[%dma_start3A_382, %dma_start3A_383] : memref<100000x128xf32, #tpu.memory_space<hbm>> -> memref<100000x128xf32, #tpu.memory_space<hbm>>
        %dma_start3A_385 = tpu.memref_slice %arg17[%dma_start3A_374] : memref<2x!tpu.dma_semaphore, #tpu.memory_space<semaphore_mem>> -> memref<1x!tpu.dma_semaphore, #tpu.memory_space<semaphore_mem>>
        %dma_start3A_386 = tpu.memref_squeeze %dma_start3A_385 : memref<1x!tpu.dma_semaphore, #tpu.memory_space<semaphore_mem>> -> memref<!tpu.dma_semaphore, #tpu.memory_space<semaphore_mem>>
        tpu.enqueue_indirect_dma source(%dma_start3A_384 : memref<100000x128xf32, #tpu.memory_space<hbm>>) target(%dma_start3A_378 : memref<128x128xf32, #tpu.memory_space<vmem>>) offsets(%dma_start3A_381 : memref<128xi32, #tpu.memory_space<vmem>>) semaphore(%dma_start3A_386 : memref<!tpu.dma_semaphore, #tpu.memory_space<semaphore_mem>>)
        %dma_start3A_387 = arith.constant 0 : i32
        %dma_start3A_388 = arith.constant 0 : i32
        %dma_start3A_389 = arith.constant 0 : i32
        %dma_start3A_390 = arith.constant 0 : i32
        %dma_start3A_391 = arith.constant 0 : i32
        %dma_start3A_392 = tpu.memref_slice %arg12[%dma_start3A_388, %dma_start3A_390, %dma_start3A_391] : memref<2x128x128xf32, #tpu.memory_space<vmem>> -> memref<1x128x128xf32, #tpu.memory_space<vmem>>
        %dma_start3A_393 = tpu.memref_squeeze %dma_start3A_392 : memref<1x128x128xf32, #tpu.memory_space<vmem>> -> memref<128x128xf32, #tpu.memory_space<vmem>>
        %dma_start3A_394 = arith.constant 0 : i32
        %dma_start3A_395 = tpu.memref_slice %arg10[%dma_start3A_387, %dma_start3A_394] : memref<2x128xi32, #tpu.memory_space<vmem>> -> memref<1x128xi32, #tpu.memory_space<vmem>>
        %dma_start3A_396 = tpu.memref_squeeze %dma_start3A_395 : memref<1x128xi32, #tpu.memory_space<vmem>> -> memref<128xi32, #tpu.memory_space<vmem>>
        %dma_start3A_397 = arith.constant 0 : i32
        %dma_start3A_398 = arith.constant 0 : i32
        %dma_start3A_399 = tpu.memref_slice %arg5[%dma_start3A_397, %dma_start3A_398] : memref<101x128xf32, #tpu.memory_space<hbm>> -> memref<101x128xf32, #tpu.memory_space<hbm>>
        %dma_start3A_400 = tpu.memref_slice %arg17[%dma_start3A_389] : memref<2x!tpu.dma_semaphore, #tpu.memory_space<semaphore_mem>> -> memref<1x!tpu.dma_semaphore, #tpu.memory_space<semaphore_mem>>
        %dma_start3A_401 = tpu.memref_squeeze %dma_start3A_400 : memref<1x!tpu.dma_semaphore, #tpu.memory_space<semaphore_mem>> -> memref<!tpu.dma_semaphore, #tpu.memory_space<semaphore_mem>>
        tpu.enqueue_indirect_dma source(%dma_start3A_399 : memref<101x128xf32, #tpu.memory_space<hbm>>) target(%dma_start3A_393 : memref<128x128xf32, #tpu.memory_space<vmem>>) offsets(%dma_start3A_396 : memref<128xi32, #tpu.memory_space<vmem>>) semaphore(%dma_start3A_401 : memref<!tpu.dma_semaphore, #tpu.memory_space<semaphore_mem>>)
      } else {
      }
      %dma_wait3A_276 = arith.constant 1 : i32
      %dma_wait3A_277 = arith.constant 1 : i32
      %dma_wait3A_278 = arith.constant 0 : i32
      %dma_wait3A_279 = arith.constant 0 : i32
      %dma_wait3A_280 = tpu.memref_slice %arg11[%dma_wait3A_276, %dma_wait3A_278, %dma_wait3A_279] : memref<2x128x128xf32, #tpu.memory_space<vmem>> -> memref<1x128x128xf32, #tpu.memory_space<vmem>>
      %dma_wait3A_281 = tpu.memref_squeeze %dma_wait3A_280 : memref<1x128x128xf32, #tpu.memory_space<vmem>> -> memref<128x128xf32, #tpu.memory_space<vmem>>
      %dma_wait3A_282 = arith.constant 0 : i32
      %dma_wait3A_283 = arith.constant 0 : i32
      %dma_wait3A_284 = tpu.memref_slice %arg4[%dma_wait3A_282, %dma_wait3A_283] : memref<100000x128xf32, #tpu.memory_space<hbm>> -> memref<128x128xf32, #tpu.memory_space<hbm>>
      %dma_wait3A_285 = tpu.memref_slice %arg17[%dma_wait3A_277] : memref<2x!tpu.dma_semaphore, #tpu.memory_space<semaphore_mem>> -> memref<1x!tpu.dma_semaphore, #tpu.memory_space<semaphore_mem>>
      %dma_wait3A_286 = tpu.memref_squeeze %dma_wait3A_285 : memref<1x!tpu.dma_semaphore, #tpu.memory_space<semaphore_mem>> -> memref<!tpu.dma_semaphore, #tpu.memory_space<semaphore_mem>>
      %dma_wait3A_287 = arith.constant 0 : i32
      %dma_wait3A_288 = arith.constant 0 : i32
      %dma_wait3A_289 = tpu.memref_slice %arg11[%dma_wait3A_276, %dma_wait3A_287, %dma_wait3A_288] : memref<2x128x128xf32, #tpu.memory_space<vmem>> -> memref<1x128x128xf32, #tpu.memory_space<vmem>>
      %dma_wait3A_290 = tpu.memref_squeeze %dma_wait3A_289 : memref<1x128x128xf32, #tpu.memory_space<vmem>> -> memref<128x128xf32, #tpu.memory_space<vmem>>
      %dma_wait3A_291 = arith.constant 0 : i32
      %dma_wait3A_292 = arith.constant 0 : i32
      %dma_wait3A_293 = tpu.memref_slice %arg4[%dma_wait3A_291, %dma_wait3A_292] : memref<100000x128xf32, #tpu.memory_space<hbm>> -> memref<128x128xf32, #tpu.memory_space<hbm>>
      tpu.wait_dma2 semaphore(%dma_wait3A_286 : memref<!tpu.dma_semaphore, #tpu.memory_space<semaphore_mem>>) src(%dma_wait3A_293 : memref<128x128xf32, #tpu.memory_space<hbm>>) dst(%dma_wait3A_290 : memref<128x128xf32, #tpu.memory_space<vmem>>)
      %dma_wait3A_294 = arith.constant 1 : i32
      %dma_wait3A_295 = arith.constant 1 : i32
      %dma_wait3A_296 = arith.constant 0 : i32
      %dma_wait3A_297 = arith.constant 0 : i32
      %dma_wait3A_298 = tpu.memref_slice %arg12[%dma_wait3A_294, %dma_wait3A_296, %dma_wait3A_297] : memref<2x128x128xf32, #tpu.memory_space<vmem>> -> memref<1x128x128xf32, #tpu.memory_space<vmem>>
      %dma_wait3A_299 = tpu.memref_squeeze %dma_wait3A_298 : memref<1x128x128xf32, #tpu.memory_space<vmem>> -> memref<128x128xf32, #tpu.memory_space<vmem>>
      %dma_wait3A_300 = arith.constant 0 : i32
      %dma_wait3A_301 = arith.constant 0 : i32
      %dma_wait3A_302 = tpu.memref_slice %arg5[%dma_wait3A_300, %dma_wait3A_301] : memref<101x128xf32, #tpu.memory_space<hbm>> -> memref<128x128xf32, #tpu.memory_space<hbm>>
      %dma_wait3A_303 = tpu.memref_slice %arg17[%dma_wait3A_295] : memref<2x!tpu.dma_semaphore, #tpu.memory_space<semaphore_mem>> -> memref<1x!tpu.dma_semaphore, #tpu.memory_space<semaphore_mem>>
      %dma_wait3A_304 = tpu.memref_squeeze %dma_wait3A_303 : memref<1x!tpu.dma_semaphore, #tpu.memory_space<semaphore_mem>> -> memref<!tpu.dma_semaphore, #tpu.memory_space<semaphore_mem>>
      %dma_wait3A_305 = arith.constant 0 : i32
      %dma_wait3A_306 = arith.constant 0 : i32
      %dma_wait3A_307 = tpu.memref_slice %arg12[%dma_wait3A_294, %dma_wait3A_305, %dma_wait3A_306] : memref<2x128x128xf32, #tpu.memory_space<vmem>> -> memref<1x128x128xf32, #tpu.memory_space<vmem>>
      %dma_wait3A_308 = tpu.memref_squeeze %dma_wait3A_307 : memref<1x128x128xf32, #tpu.memory_space<vmem>> -> memref<128x128xf32, #tpu.memory_space<vmem>>
      %dma_wait3A_309 = arith.constant 0 : i32
      %dma_wait3A_310 = arith.constant 0 : i32
      %dma_wait3A_311 = tpu.memref_slice %arg5[%dma_wait3A_309, %dma_wait3A_310] : memref<101x128xf32, #tpu.memory_space<hbm>> -> memref<128x128xf32, #tpu.memory_space<hbm>>
      tpu.wait_dma2 semaphore(%dma_wait3A_304 : memref<!tpu.dma_semaphore, #tpu.memory_space<semaphore_mem>>) src(%dma_wait3A_311 : memref<128x128xf32, #tpu.memory_space<hbm>>) dst(%dma_wait3A_308 : memref<128x128xf32, #tpu.memory_space<vmem>>)
      %lt3A_312 = arith.constant 198 : i32
      %lt3A_313 = arith.cmpi slt, %add3A_270, %lt3A_312 : i32
      %convert_element_type3A_314 = arith.extui %lt3A_313 : i1 to i32
      %cond3A_315 = arith.constant 0 : i32
      %cond3A_316 = arith.cmpi ne, %convert_element_type3A_314, %cond3A_315 : i32
      scf.if %cond3A_316 {
        %add3A_344 = arith.constant 2 : i32
        %add3A_345 = arith.addi %add3A_270, %add3A_344 : i32
        %mul3A_346 = arith.constant 128 : i32
        %mul3A_347 = arith.muli %add3A_345, %mul3A_346 : i32
        %add3A_348 = arith.addi %mul3A_2, %mul3A_347 : i32
        %dma_start3A_349 = arith.constant 1 : i32
        %dma_start3A_350 = arith.constant 1 : i32
        %dma_start3A_351 = arith.constant 0 : i32
        %dma_start3A_352 = tpu.memref_slice %arg9[%dma_start3A_349, %dma_start3A_351] : memref<2x128xi32, #tpu.memory_space<vmem>> -> memref<1x128xi32, #tpu.memory_space<vmem>>
        %dma_start3A_353 = tpu.memref_squeeze %dma_start3A_352 : memref<1x128xi32, #tpu.memory_space<vmem>> -> memref<128xi32, #tpu.memory_space<vmem>>
        %dma_start3A_354 = tpu.memref_slice %arg2[%add3A_348] : memref<819200xi32, #tpu.memory_space<hbm>> -> memref<128xi32, #tpu.memory_space<hbm>>
        %dma_start3A_355 = tpu.memref_slice %arg16[%dma_start3A_350] : memref<2x!tpu.dma_semaphore, #tpu.memory_space<semaphore_mem>> -> memref<1x!tpu.dma_semaphore, #tpu.memory_space<semaphore_mem>>
        %dma_start3A_356 = tpu.memref_squeeze %dma_start3A_355 : memref<1x!tpu.dma_semaphore, #tpu.memory_space<semaphore_mem>> -> memref<!tpu.dma_semaphore, #tpu.memory_space<semaphore_mem>>
        %dma_start3A_357 = arith.constant 0 : i32
        %dma_start3A_358 = tpu.memref_slice %arg9[%dma_start3A_349, %dma_start3A_357] : memref<2x128xi32, #tpu.memory_space<vmem>> -> memref<1x128xi32, #tpu.memory_space<vmem>>
        %dma_start3A_359 = tpu.memref_squeeze %dma_start3A_358 : memref<1x128xi32, #tpu.memory_space<vmem>> -> memref<128xi32, #tpu.memory_space<vmem>>
        %dma_start3A_360 = tpu.memref_slice %arg2[%add3A_348] : memref<819200xi32, #tpu.memory_space<hbm>> -> memref<128xi32, #tpu.memory_space<hbm>>
        tpu.enqueue_dma source(%dma_start3A_360 : memref<128xi32, #tpu.memory_space<hbm>>) target(%dma_start3A_359 : memref<128xi32, #tpu.memory_space<vmem>>) target_semaphore(%dma_start3A_356 : memref<!tpu.dma_semaphore, #tpu.memory_space<semaphore_mem>>)
        %dma_start3A_361 = arith.constant 1 : i32
        %dma_start3A_362 = arith.constant 1 : i32
        %dma_start3A_363 = arith.constant 0 : i32
        %dma_start3A_364 = tpu.memref_slice %arg10[%dma_start3A_361, %dma_start3A_363] : memref<2x128xi32, #tpu.memory_space<vmem>> -> memref<1x128xi32, #tpu.memory_space<vmem>>
        %dma_start3A_365 = tpu.memref_squeeze %dma_start3A_364 : memref<1x128xi32, #tpu.memory_space<vmem>> -> memref<128xi32, #tpu.memory_space<vmem>>
        %dma_start3A_366 = tpu.memref_slice %arg3[%add3A_348] : memref<819200xi32, #tpu.memory_space<hbm>> -> memref<128xi32, #tpu.memory_space<hbm>>
        %dma_start3A_367 = tpu.memref_slice %arg16[%dma_start3A_362] : memref<2x!tpu.dma_semaphore, #tpu.memory_space<semaphore_mem>> -> memref<1x!tpu.dma_semaphore, #tpu.memory_space<semaphore_mem>>
        %dma_start3A_368 = tpu.memref_squeeze %dma_start3A_367 : memref<1x!tpu.dma_semaphore, #tpu.memory_space<semaphore_mem>> -> memref<!tpu.dma_semaphore, #tpu.memory_space<semaphore_mem>>
        %dma_start3A_369 = arith.constant 0 : i32
        %dma_start3A_370 = tpu.memref_slice %arg10[%dma_start3A_361, %dma_start3A_369] : memref<2x128xi32, #tpu.memory_space<vmem>> -> memref<1x128xi32, #tpu.memory_space<vmem>>
        %dma_start3A_371 = tpu.memref_squeeze %dma_start3A_370 : memref<1x128xi32, #tpu.memory_space<vmem>> -> memref<128xi32, #tpu.memory_space<vmem>>
        %dma_start3A_372 = tpu.memref_slice %arg3[%add3A_348] : memref<819200xi32, #tpu.memory_space<hbm>> -> memref<128xi32, #tpu.memory_space<hbm>>
        tpu.enqueue_dma source(%dma_start3A_372 : memref<128xi32, #tpu.memory_space<hbm>>) target(%dma_start3A_371 : memref<128xi32, #tpu.memory_space<vmem>>) target_semaphore(%dma_start3A_368 : memref<!tpu.dma_semaphore, #tpu.memory_space<semaphore_mem>>)
      } else {
      }
      %gt3A_317 = arith.constant 0 : i32
      %gt3A_318 = arith.cmpi sgt, %scan3A_194, %gt3A_317 : i32
      %convert_element_type3A_319 = arith.extui %gt3A_318 : i1 to i32
      %cond3A_320 = arith.constant 0 : i32
      %cond3A_321 = arith.cmpi ne, %convert_element_type3A_319, %cond3A_320 : i32
      scf.if %cond3A_321 {
        %dma_wait3A_344 = arith.constant 1 : i32
        %dma_wait3A_345 = arith.constant 1 : i32
        %dma_wait3A_346 = arith.constant 0 : i32
        %dma_wait3A_347 = arith.constant 0 : i32
        %dma_wait3A_348 = tpu.memref_slice %arg13[%dma_wait3A_344, %dma_wait3A_346, %dma_wait3A_347] : memref<2x128x128xf32, #tpu.memory_space<vmem>> -> memref<1x128x128xf32, #tpu.memory_space<vmem>>
        %dma_wait3A_349 = tpu.memref_squeeze %dma_wait3A_348 : memref<1x128x128xf32, #tpu.memory_space<vmem>> -> memref<128x128xf32, #tpu.memory_space<vmem>>
        %dma_wait3A_350 = arith.constant 0 : i32
        %dma_wait3A_351 = arith.constant 0 : i32
        %dma_wait3A_352 = tpu.memref_slice %arg8[%dma_wait3A_350, %dma_wait3A_351] : memref<819200x128xf32, #tpu.memory_space<hbm>> -> memref<128x128xf32, #tpu.memory_space<hbm>>
        %dma_wait3A_353 = tpu.memref_slice %arg18[%dma_wait3A_345] : memref<2x!tpu.dma_semaphore, #tpu.memory_space<semaphore_mem>> -> memref<1x!tpu.dma_semaphore, #tpu.memory_space<semaphore_mem>>
        %dma_wait3A_354 = tpu.memref_squeeze %dma_wait3A_353 : memref<1x!tpu.dma_semaphore, #tpu.memory_space<semaphore_mem>> -> memref<!tpu.dma_semaphore, #tpu.memory_space<semaphore_mem>>
        %dma_wait3A_355 = arith.constant 0 : i32
        %dma_wait3A_356 = arith.constant 0 : i32
        %dma_wait3A_357 = tpu.memref_slice %arg8[%dma_wait3A_355, %dma_wait3A_356] : memref<819200x128xf32, #tpu.memory_space<hbm>> -> memref<128x128xf32, #tpu.memory_space<hbm>>
        %dma_wait3A_358 = arith.constant 0 : i32
        %dma_wait3A_359 = arith.constant 0 : i32
        %dma_wait3A_360 = tpu.memref_slice %arg13[%dma_wait3A_344, %dma_wait3A_358, %dma_wait3A_359] : memref<2x128x128xf32, #tpu.memory_space<vmem>> -> memref<1x128x128xf32, #tpu.memory_space<vmem>>
        %dma_wait3A_361 = tpu.memref_squeeze %dma_wait3A_360 : memref<1x128x128xf32, #tpu.memory_space<vmem>> -> memref<128x128xf32, #tpu.memory_space<vmem>>
        tpu.wait_dma2 semaphore(%dma_wait3A_354 : memref<!tpu.dma_semaphore, #tpu.memory_space<semaphore_mem>>) src(%dma_wait3A_361 : memref<128x128xf32, #tpu.memory_space<vmem>>) dst(%dma_wait3A_357 : memref<128x128xf32, #tpu.memory_space<hbm>>)
      } else {
      }
      %parallel_loop3A_322 = arith.constant 0 : i32
      %parallel_loop3A_323 = arith.constant 128 : i32
      %parallel_loop3A_324 = arith.constant 1 : i32
      scf.for %parallel_loop3A_344 = %parallel_loop3A_322 to %parallel_loop3A_323 step %parallel_loop3A_324  : i32 {
        %parallel_loop3A_345 = arith.constant 1 : i32
        %parallel_loop3A_346 = arith.index_cast %parallel_loop3A_345 : i32 to index
        %parallel_loop3A_347 = arith.index_cast %parallel_loop3A_344 : i32 to index
        %parallel_loop3A_348 = arith.constant 0 : index
        %parallel_loop3A_349 = tpu.vector_load %arg11[%parallel_loop3A_346, %parallel_loop3A_347, %parallel_loop3A_348] {strides = array<i32>} : memref<2x128x128xf32, #tpu.memory_space<vmem>>, vector<16xf32>,
        %parallel_loop3A_350 = arith.constant 1 : i32
        %parallel_loop3A_351 = arith.index_cast %parallel_loop3A_350 : i32 to index
        %parallel_loop3A_352 = arith.index_cast %parallel_loop3A_344 : i32 to index
        %parallel_loop3A_353 = arith.constant 0 : index
        %parallel_loop3A_354 = tpu.vector_load %arg12[%parallel_loop3A_351, %parallel_loop3A_352, %parallel_loop3A_353] {strides = array<i32>} : memref<2x128x128xf32, #tpu.memory_space<vmem>>, vector<16xf32>,
        %parallel_loop3A_355 = arith.addf %parallel_loop3A_349, %parallel_loop3A_354 : vector<16xf32>
        %parallel_loop3A_356 = arith.constant 1 : i32
        %parallel_loop3A_357 = arith.index_cast %parallel_loop3A_356 : i32 to index
        %parallel_loop3A_358 = arith.index_cast %parallel_loop3A_344 : i32 to index
        %parallel_loop3A_359 = arith.constant 16 : index
        %parallel_loop3A_360 = tpu.vector_load %arg11[%parallel_loop3A_357, %parallel_loop3A_358, %parallel_loop3A_359] {strides = array<i32>} : memref<2x128x128xf32, #tpu.memory_space<vmem>>, vector<16xf32>,
        %parallel_loop3A_361 = arith.constant 1 : i32
        %parallel_loop3A_362 = arith.index_cast %parallel_loop3A_361 : i32 to index
        %parallel_loop3A_363 = arith.index_cast %parallel_loop3A_344 : i32 to index
        %parallel_loop3A_364 = arith.constant 16 : index
        %parallel_loop3A_365 = tpu.vector_load %arg12[%parallel_loop3A_362, %parallel_loop3A_363, %parallel_loop3A_364] {strides = array<i32>} : memref<2x128x128xf32, #tpu.memory_space<vmem>>, vector<16xf32>,
        %parallel_loop3A_366 = arith.addf %parallel_loop3A_360, %parallel_loop3A_365 : vector<16xf32>
        %parallel_loop3A_367 = arith.constant 1 : i32
        %parallel_loop3A_368 = arith.index_cast %parallel_loop3A_367 : i32 to index
        %parallel_loop3A_369 = arith.index_cast %parallel_loop3A_344 : i32 to index
        %parallel_loop3A_370 = arith.constant 32 : index
        %parallel_loop3A_371 = tpu.vector_load %arg11[%parallel_loop3A_368, %parallel_loop3A_369, %parallel_loop3A_370] {strides = array<i32>} : memref<2x128x128xf32, #tpu.memory_space<vmem>>, vector<16xf32>,
        %parallel_loop3A_372 = arith.constant 1 : i32
        %parallel_loop3A_373 = arith.index_cast %parallel_loop3A_372 : i32 to index
        %parallel_loop3A_374 = arith.index_cast %parallel_loop3A_344 : i32 to index
        %parallel_loop3A_375 = arith.constant 32 : index
        %parallel_loop3A_376 = tpu.vector_load %arg12[%parallel_loop3A_373, %parallel_loop3A_374, %parallel_loop3A_375] {strides = array<i32>} : memref<2x128x128xf32, #tpu.memory_space<vmem>>, vector<16xf32>,
        %parallel_loop3A_377 = arith.addf %parallel_loop3A_371, %parallel_loop3A_376 : vector<16xf32>
        %parallel_loop3A_378 = arith.constant 1 : i32
        %parallel_loop3A_379 = arith.index_cast %parallel_loop3A_378 : i32 to index
        %parallel_loop3A_380 = arith.index_cast %parallel_loop3A_344 : i32 to index
        %parallel_loop3A_381 = arith.constant 48 : index
        %parallel_loop3A_382 = tpu.vector_load %arg11[%parallel_loop3A_379, %parallel_loop3A_380, %parallel_loop3A_381] {strides = array<i32>} : memref<2x128x128xf32, #tpu.memory_space<vmem>>, vector<16xf32>,
        %parallel_loop3A_383 = arith.constant 1 : i32
        %parallel_loop3A_384 = arith.index_cast %parallel_loop3A_383 : i32 to index
        %parallel_loop3A_385 = arith.index_cast %parallel_loop3A_344 : i32 to index
        %parallel_loop3A_386 = arith.constant 48 : index
        %parallel_loop3A_387 = tpu.vector_load %arg12[%parallel_loop3A_384, %parallel_loop3A_385, %parallel_loop3A_386] {strides = array<i32>} : memref<2x128x128xf32, #tpu.memory_space<vmem>>, vector<16xf32>,
        %parallel_loop3A_388 = arith.addf %parallel_loop3A_382, %parallel_loop3A_387 : vector<16xf32>
        %parallel_loop3A_389 = arith.constant 1 : i32
        %parallel_loop3A_390 = arith.index_cast %parallel_loop3A_389 : i32 to index
        %parallel_loop3A_391 = arith.index_cast %parallel_loop3A_344 : i32 to index
        %parallel_loop3A_392 = arith.constant 64 : index
        %parallel_loop3A_393 = tpu.vector_load %arg11[%parallel_loop3A_390, %parallel_loop3A_391, %parallel_loop3A_392] {strides = array<i32>} : memref<2x128x128xf32, #tpu.memory_space<vmem>>, vector<16xf32>,
        %parallel_loop3A_394 = arith.constant 1 : i32
        %parallel_loop3A_395 = arith.index_cast %parallel_loop3A_394 : i32 to index
        %parallel_loop3A_396 = arith.index_cast %parallel_loop3A_344 : i32 to index
        %parallel_loop3A_397 = arith.constant 64 : index
        %parallel_loop3A_398 = tpu.vector_load %arg12[%parallel_loop3A_395, %parallel_loop3A_396, %parallel_loop3A_397] {strides = array<i32>} : memref<2x128x128xf32, #tpu.memory_space<vmem>>, vector<16xf32>,
        %parallel_loop3A_399 = arith.addf %parallel_loop3A_393, %parallel_loop3A_398 : vector<16xf32>
        %parallel_loop3A_400 = arith.constant 1 : i32
        %parallel_loop3A_401 = arith.index_cast %parallel_loop3A_400 : i32 to index
        %parallel_loop3A_402 = arith.index_cast %parallel_loop3A_344 : i32 to index
        %parallel_loop3A_403 = arith.constant 80 : index
        %parallel_loop3A_404 = tpu.vector_load %arg11[%parallel_loop3A_401, %parallel_loop3A_402, %parallel_loop3A_403] {strides = array<i32>} : memref<2x128x128xf32, #tpu.memory_space<vmem>>, vector<16xf32>,
        %parallel_loop3A_405 = arith.constant 1 : i32
        %parallel_loop3A_406 = arith.index_cast %parallel_loop3A_405 : i32 to index
        %parallel_loop3A_407 = arith.index_cast %parallel_loop3A_344 : i32 to index
        %parallel_loop3A_408 = arith.constant 80 : index
        %parallel_loop3A_409 = tpu.vector_load %arg12[%parallel_loop3A_406, %parallel_loop3A_407, %parallel_loop3A_408] {strides = array<i32>} : memref<2x128x128xf32, #tpu.memory_space<vmem>>, vector<16xf32>,
        %parallel_loop3A_410 = arith.addf %parallel_loop3A_404, %parallel_loop3A_409 : vector<16xf32>
        %parallel_loop3A_411 = arith.constant 1 : i32
        %parallel_loop3A_412 = arith.index_cast %parallel_loop3A_411 : i32 to index
        %parallel_loop3A_413 = arith.index_cast %parallel_loop3A_344 : i32 to index
        %parallel_loop3A_414 = arith.constant 96 : index
        %parallel_loop3A_415 = tpu.vector_load %arg11[%parallel_loop3A_412, %parallel_loop3A_413, %parallel_loop3A_414] {strides = array<i32>} : memref<2x128x128xf32, #tpu.memory_space<vmem>>, vector<16xf32>,
        %parallel_loop3A_416 = arith.constant 1 : i32
        %parallel_loop3A_417 = arith.index_cast %parallel_loop3A_416 : i32 to index
        %parallel_loop3A_418 = arith.index_cast %parallel_loop3A_344 : i32 to index
        %parallel_loop3A_419 = arith.constant 96 : index
        %parallel_loop3A_420 = tpu.vector_load %arg12[%parallel_loop3A_417, %parallel_loop3A_418, %parallel_loop3A_419] {strides = array<i32>} : memref<2x128x128xf32, #tpu.memory_space<vmem>>, vector<16xf32>,
        %parallel_loop3A_421 = arith.addf %parallel_loop3A_415, %parallel_loop3A_420 : vector<16xf32>
        %parallel_loop3A_422 = arith.constant 1 : i32
        %parallel_loop3A_423 = arith.index_cast %parallel_loop3A_422 : i32 to index
        %parallel_loop3A_424 = arith.index_cast %parallel_loop3A_344 : i32 to index
        %parallel_loop3A_425 = arith.constant 112 : index
        %parallel_loop3A_426 = tpu.vector_load %arg11[%parallel_loop3A_423, %parallel_loop3A_424, %parallel_loop3A_425] {strides = array<i32>} : memref<2x128x128xf32, #tpu.memory_space<vmem>>, vector<16xf32>,
        %parallel_loop3A_427 = arith.constant 1 : i32
        %parallel_loop3A_428 = arith.index_cast %parallel_loop3A_427 : i32 to index
        %parallel_loop3A_429 = arith.index_cast %parallel_loop3A_344 : i32 to index
        %parallel_loop3A_430 = arith.constant 112 : index
        %parallel_loop3A_431 = tpu.vector_load %arg12[%parallel_loop3A_428, %parallel_loop3A_429, %parallel_loop3A_430] {strides = array<i32>} : memref<2x128x128xf32, #tpu.memory_space<vmem>>, vector<16xf32>,
        %parallel_loop3A_432 = arith.addf %parallel_loop3A_426, %parallel_loop3A_431 : vector<16xf32>
        %parallel_loop3A_433 = arith.addf %parallel_loop3A_355, %parallel_loop3A_366 : vector<16xf32>
        %parallel_loop3A_434 = arith.addf %parallel_loop3A_377, %parallel_loop3A_388 : vector<16xf32>
        %parallel_loop3A_435 = arith.addf %parallel_loop3A_399, %parallel_loop3A_410 : vector<16xf32>
        %parallel_loop3A_436 = arith.addf %parallel_loop3A_421, %parallel_loop3A_432 : vector<16xf32>
        %parallel_loop3A_437 = arith.addf %parallel_loop3A_433, %parallel_loop3A_434 : vector<16xf32>
        %parallel_loop3A_438 = arith.addf %parallel_loop3A_435, %parallel_loop3A_436 : vector<16xf32>
        %parallel_loop3A_439 = arith.addf %parallel_loop3A_437, %parallel_loop3A_438 : vector<16xf32>
        %parallel_loop3A_440 = arith.mulf %parallel_loop3A_355, %parallel_loop3A_355 : vector<16xf32>
        %parallel_loop3A_441 = arith.mulf %parallel_loop3A_366, %parallel_loop3A_366 : vector<16xf32>
        %parallel_loop3A_442 = arith.mulf %parallel_loop3A_377, %parallel_loop3A_377 : vector<16xf32>
        %parallel_loop3A_443 = arith.mulf %parallel_loop3A_388, %parallel_loop3A_388 : vector<16xf32>
        %parallel_loop3A_444 = arith.mulf %parallel_loop3A_399, %parallel_loop3A_399 : vector<16xf32>
        %parallel_loop3A_445 = arith.mulf %parallel_loop3A_410, %parallel_loop3A_410 : vector<16xf32>
        %parallel_loop3A_446 = arith.mulf %parallel_loop3A_421, %parallel_loop3A_421 : vector<16xf32>
        %parallel_loop3A_447 = arith.mulf %parallel_loop3A_432, %parallel_loop3A_432 : vector<16xf32>
        %parallel_loop3A_448 = arith.addf %parallel_loop3A_440, %parallel_loop3A_441 : vector<16xf32>
        %parallel_loop3A_449 = arith.addf %parallel_loop3A_442, %parallel_loop3A_443 : vector<16xf32>
        %parallel_loop3A_450 = arith.addf %parallel_loop3A_444, %parallel_loop3A_445 : vector<16xf32>
        %parallel_loop3A_451 = arith.addf %parallel_loop3A_446, %parallel_loop3A_447 : vector<16xf32>
        %parallel_loop3A_452 = arith.addf %parallel_loop3A_448, %parallel_loop3A_449 : vector<16xf32>
        %parallel_loop3A_453 = arith.addf %parallel_loop3A_450, %parallel_loop3A_451 : vector<16xf32>
        %parallel_loop3A_454 = arith.addf %parallel_loop3A_452, %parallel_loop3A_453 : vector<16xf32>
        %parallel_loop3A_455 = arith.constant true
        %parallel_loop3A_456 = vector.broadcast %parallel_loop3A_455 : i1 to vector<16xi1>
        %parallel_loop3A_457 = tpu.scan <sum>, %parallel_loop3A_439 masked %parallel_loop3A_456 : vector<16xf32>, vector<16xi1> -> vector<16xf32>
        %parallel_loop3A_458 = vector.shape_cast %broadcast_in_dim3A_34 : vector<16xi32> to vector<16x1xi32>
        %parallel_loop3A_459 = vector.shape_cast %parallel_loop3A_458 : vector<16x1xi32> to vector<16xi32>
        %parallel_loop3A_460 = tpu.dynamic_gather %parallel_loop3A_457[%parallel_loop3A_459] in [0] : vector<16xf32>, vector<16xi32> -> vector<16xf32>
        %parallel_loop3A_461 = arith.constant true
        %parallel_loop3A_462 = vector.broadcast %parallel_loop3A_461 : i1 to vector<16xi1>
        %parallel_loop3A_463 = tpu.scan <sum>, %parallel_loop3A_454 masked %parallel_loop3A_462 : vector<16xf32>, vector<16xi1> -> vector<16xf32>
        %parallel_loop3A_464 = vector.shape_cast %broadcast_in_dim3A_34 : vector<16xi32> to vector<16x1xi32>
        %parallel_loop3A_465 = vector.shape_cast %parallel_loop3A_464 : vector<16x1xi32> to vector<16xi32>
        %parallel_loop3A_466 = tpu.dynamic_gather %parallel_loop3A_463[%parallel_loop3A_465] in [0] : vector<16xf32>, vector<16xi32> -> vector<16xf32>
        %parallel_loop3A_467 = arith.mulf %parallel_loop3A_460, %broadcast_in_dim3A_36 : vector<16xf32>
        %parallel_loop3A_468 = arith.mulf %parallel_loop3A_466, %broadcast_in_dim3A_36 : vector<16xf32>
        %parallel_loop3A_469 = arith.mulf %parallel_loop3A_467, %parallel_loop3A_467 : vector<16xf32>
        %parallel_loop3A_470 = arith.subf %parallel_loop3A_468, %parallel_loop3A_469 : vector<16xf32>
        %parallel_loop3A_471 = arith.addf %parallel_loop3A_470, %broadcast_in_dim3A_38 : vector<16xf32>
        %parallel_loop3A_472 = vector.bitcast %parallel_loop3A_471 : vector<16xf32> to vector<16xi32>
        %parallel_loop3A_473 = arith.constant 1 : i32
        %parallel_loop3A_474 = vector.broadcast %parallel_loop3A_473 : i32 to vector<16xi32>
        %parallel_loop3A_475 = arith.shrsi %parallel_loop3A_472, %parallel_loop3A_474 : vector<16xi32>
        %parallel_loop3A_476 = arith.subi %broadcast_in_dim3A_40, %parallel_loop3A_475 : vector<16xi32>
        %parallel_loop3A_477 = vector.bitcast %parallel_loop3A_476 : vector<16xi32> to vector<16xf32>
        %parallel_loop3A_478 = arith.mulf %broadcast_in_dim3A_44, %parallel_loop3A_471 : vector<16xf32>
        %parallel_loop3A_479 = arith.mulf %parallel_loop3A_477, %parallel_loop3A_477 : vector<16xf32>
        %parallel_loop3A_480 = arith.mulf %parallel_loop3A_478, %parallel_loop3A_479 : vector<16xf32>
        %parallel_loop3A_481 = arith.subf %broadcast_in_dim3A_42, %parallel_loop3A_480 : vector<16xf32>
        %parallel_loop3A_482 = arith.mulf %parallel_loop3A_477, %parallel_loop3A_481 : vector<16xf32>
        %parallel_loop3A_483 = arith.subf %parallel_loop3A_355, %parallel_loop3A_467 : vector<16xf32>
        %parallel_loop3A_484 = arith.mulf %parallel_loop3A_483, %parallel_loop3A_482 : vector<16xf32>
        %parallel_loop3A_485 = arith.mulf %parallel_loop3A_484, %get3A_3 : vector<16xf32>
        %parallel_loop3A_486 = arith.addf %parallel_loop3A_485, %get3A_19 : vector<16xf32>
        %parallel_loop3A_487 = arith.constant 1 : i32
        %parallel_loop3A_488 = arith.index_cast %parallel_loop3A_487 : i32 to index
        %parallel_loop3A_489 = arith.index_cast %parallel_loop3A_344 : i32 to index
        %parallel_loop3A_490 = arith.constant 0 : index
        %parallel_loop3A_491 = tpu.vector_load %arg13[%parallel_loop3A_488, %parallel_loop3A_489, %parallel_loop3A_490] {strides = array<i32>} : memref<2x128x128xf32, #tpu.memory_space<vmem>>, vector<16xf32>,
        tpu.vector_store %arg13[%parallel_loop3A_488, %parallel_loop3A_489, %parallel_loop3A_490], %parallel_loop3A_486 {strides = array<i32>} : memref<2x128x128xf32, #tpu.memory_space<vmem>>, vector<16xf32>,
        %parallel_loop3A_492 = arith.subf %parallel_loop3A_366, %parallel_loop3A_467 : vector<16xf32>
        %parallel_loop3A_493 = arith.mulf %parallel_loop3A_492, %parallel_loop3A_482 : vector<16xf32>
        %parallel_loop3A_494 = arith.mulf %parallel_loop3A_493, %get3A_5 : vector<16xf32>
        %parallel_loop3A_495 = arith.addf %parallel_loop3A_494, %get3A_21 : vector<16xf32>
        %parallel_loop3A_496 = arith.constant 1 : i32
        %parallel_loop3A_497 = arith.index_cast %parallel_loop3A_496 : i32 to index
        %parallel_loop3A_498 = arith.index_cast %parallel_loop3A_344 : i32 to index
        %parallel_loop3A_499 = arith.constant 16 : index
        %parallel_loop3A_500 = tpu.vector_load %arg13[%parallel_loop3A_497, %parallel_loop3A_498, %parallel_loop3A_499] {strides = array<i32>} : memref<2x128x128xf32, #tpu.memory_space<vmem>>, vector<16xf32>,
        tpu.vector_store %arg13[%parallel_loop3A_497, %parallel_loop3A_498, %parallel_loop3A_499], %parallel_loop3A_495 {strides = array<i32>} : memref<2x128x128xf32, #tpu.memory_space<vmem>>, vector<16xf32>,
        %parallel_loop3A_501 = arith.subf %parallel_loop3A_377, %parallel_loop3A_467 : vector<16xf32>
        %parallel_loop3A_502 = arith.mulf %parallel_loop3A_501, %parallel_loop3A_482 : vector<16xf32>
        %parallel_loop3A_503 = arith.mulf %parallel_loop3A_502, %get3A_7 : vector<16xf32>
        %parallel_loop3A_504 = arith.addf %parallel_loop3A_503, %get3A_23 : vector<16xf32>
        %parallel_loop3A_505 = arith.constant 1 : i32
        %parallel_loop3A_506 = arith.index_cast %parallel_loop3A_505 : i32 to index
        %parallel_loop3A_507 = arith.index_cast %parallel_loop3A_344 : i32 to index
        %parallel_loop3A_508 = arith.constant 32 : index
        %parallel_loop3A_509 = tpu.vector_load %arg13[%parallel_loop3A_506, %parallel_loop3A_507, %parallel_loop3A_508] {strides = array<i32>} : memref<2x128x128xf32, #tpu.memory_space<vmem>>, vector<16xf32>,
        tpu.vector_store %arg13[%parallel_loop3A_506, %parallel_loop3A_507, %parallel_loop3A_508], %parallel_loop3A_504 {strides = array<i32>} : memref<2x128x128xf32, #tpu.memory_space<vmem>>, vector<16xf32>,
        %parallel_loop3A_510 = arith.subf %parallel_loop3A_388, %parallel_loop3A_467 : vector<16xf32>
        %parallel_loop3A_511 = arith.mulf %parallel_loop3A_510, %parallel_loop3A_482 : vector<16xf32>
        %parallel_loop3A_512 = arith.mulf %parallel_loop3A_511, %get3A_9 : vector<16xf32>
        %parallel_loop3A_513 = arith.addf %parallel_loop3A_512, %get3A_25 : vector<16xf32>
        %parallel_loop3A_514 = arith.constant 1 : i32
        %parallel_loop3A_515 = arith.index_cast %parallel_loop3A_514 : i32 to index
        %parallel_loop3A_516 = arith.index_cast %parallel_loop3A_344 : i32 to index
        %parallel_loop3A_517 = arith.constant 48 : index
        %parallel_loop3A_518 = tpu.vector_load %arg13[%parallel_loop3A_515, %parallel_loop3A_516, %parallel_loop3A_517] {strides = array<i32>} : memref<2x128x128xf32, #tpu.memory_space<vmem>>, vector<16xf32>,
        tpu.vector_store %arg13[%parallel_loop3A_515, %parallel_loop3A_516, %parallel_loop3A_517], %parallel_loop3A_513 {strides = array<i32>} : memref<2x128x128xf32, #tpu.memory_space<vmem>>, vector<16xf32>,
        %parallel_loop3A_519 = arith.subf %parallel_loop3A_399, %parallel_loop3A_467 : vector<16xf32>
        %parallel_loop3A_520 = arith.mulf %parallel_loop3A_519, %parallel_loop3A_482 : vector<16xf32>
        %parallel_loop3A_521 = arith.mulf %parallel_loop3A_520, %get3A_11 : vector<16xf32>
        %parallel_loop3A_522 = arith.addf %parallel_loop3A_521, %get3A_27 : vector<16xf32>
        %parallel_loop3A_523 = arith.constant 1 : i32
        %parallel_loop3A_524 = arith.index_cast %parallel_loop3A_523 : i32 to index
        %parallel_loop3A_525 = arith.index_cast %parallel_loop3A_344 : i32 to index
        %parallel_loop3A_526 = arith.constant 64 : index
        %parallel_loop3A_527 = tpu.vector_load %arg13[%parallel_loop3A_524, %parallel_loop3A_525, %parallel_loop3A_526] {strides = array<i32>} : memref<2x128x128xf32, #tpu.memory_space<vmem>>, vector<16xf32>,
        tpu.vector_store %arg13[%parallel_loop3A_524, %parallel_loop3A_525, %parallel_loop3A_526], %parallel_loop3A_522 {strides = array<i32>} : memref<2x128x128xf32, #tpu.memory_space<vmem>>, vector<16xf32>,
        %parallel_loop3A_528 = arith.subf %parallel_loop3A_410, %parallel_loop3A_467 : vector<16xf32>
        %parallel_loop3A_529 = arith.mulf %parallel_loop3A_528, %parallel_loop3A_482 : vector<16xf32>
        %parallel_loop3A_530 = arith.mulf %parallel_loop3A_529, %get3A_13 : vector<16xf32>
        %parallel_loop3A_531 = arith.addf %parallel_loop3A_530, %get3A_29 : vector<16xf32>
        %parallel_loop3A_532 = arith.constant 1 : i32
        %parallel_loop3A_533 = arith.index_cast %parallel_loop3A_532 : i32 to index
        %parallel_loop3A_534 = arith.index_cast %parallel_loop3A_344 : i32 to index
        %parallel_loop3A_535 = arith.constant 80 : index
        %parallel_loop3A_536 = tpu.vector_load %arg13[%parallel_loop3A_533, %parallel_loop3A_534, %parallel_loop3A_535] {strides = array<i32>} : memref<2x128x128xf32, #tpu.memory_space<vmem>>, vector<16xf32>,
        tpu.vector_store %arg13[%parallel_loop3A_533, %parallel_loop3A_534, %parallel_loop3A_535], %parallel_loop3A_531 {strides = array<i32>} : memref<2x128x128xf32, #tpu.memory_space<vmem>>, vector<16xf32>,
        %parallel_loop3A_537 = arith.subf %parallel_loop3A_421, %parallel_loop3A_467 : vector<16xf32>
        %parallel_loop3A_538 = arith.mulf %parallel_loop3A_537, %parallel_loop3A_482 : vector<16xf32>
        %parallel_loop3A_539 = arith.mulf %parallel_loop3A_538, %get3A_15 : vector<16xf32>
        %parallel_loop3A_540 = arith.addf %parallel_loop3A_539, %get3A_31 : vector<16xf32>
        %parallel_loop3A_541 = arith.constant 1 : i32
        %parallel_loop3A_542 = arith.index_cast %parallel_loop3A_541 : i32 to index
        %parallel_loop3A_543 = arith.index_cast %parallel_loop3A_344 : i32 to index
        %parallel_loop3A_544 = arith.constant 96 : index
        %parallel_loop3A_545 = tpu.vector_load %arg13[%parallel_loop3A_542, %parallel_loop3A_543, %parallel_loop3A_544] {strides = array<i32>} : memref<2x128x128xf32, #tpu.memory_space<vmem>>, vector<16xf32>,
        tpu.vector_store %arg13[%parallel_loop3A_542, %parallel_loop3A_543, %parallel_loop3A_544], %parallel_loop3A_540 {strides = array<i32>} : memref<2x128x128xf32, #tpu.memory_space<vmem>>, vector<16xf32>,
        %parallel_loop3A_546 = arith.subf %parallel_loop3A_432, %parallel_loop3A_467 : vector<16xf32>
        %parallel_loop3A_547 = arith.mulf %parallel_loop3A_546, %parallel_loop3A_482 : vector<16xf32>
        %parallel_loop3A_548 = arith.mulf %parallel_loop3A_547, %get3A_17 : vector<16xf32>
        %parallel_loop3A_549 = arith.addf %parallel_loop3A_548, %get3A_33 : vector<16xf32>
        %parallel_loop3A_550 = arith.constant 1 : i32
        %parallel_loop3A_551 = arith.index_cast %parallel_loop3A_550 : i32 to index
        %parallel_loop3A_552 = arith.index_cast %parallel_loop3A_344 : i32 to index
        %parallel_loop3A_553 = arith.constant 112 : index
        %parallel_loop3A_554 = tpu.vector_load %arg13[%parallel_loop3A_551, %parallel_loop3A_552, %parallel_loop3A_553] {strides = array<i32>} : memref<2x128x128xf32, #tpu.memory_space<vmem>>, vector<16xf32>,
        tpu.vector_store %arg13[%parallel_loop3A_551, %parallel_loop3A_552, %parallel_loop3A_553], %parallel_loop3A_549 {strides = array<i32>} : memref<2x128x128xf32, #tpu.memory_space<vmem>>, vector<16xf32>,
      } {sc.loop_unroll_factor = 1 : i64, sc.parallel_access}
      %mul3A_325 = arith.constant 128 : i32
      %mul3A_326 = arith.muli %add3A_270, %mul3A_325 : i32
      %add3A_327 = arith.addi %mul3A_2, %mul3A_326 : i32
      %dma_start3A_328 = arith.constant 1 : i32
      %dma_start3A_329 = arith.constant 1 : i32
      %dma_start3A_330 = arith.constant 0 : i32
      %dma_start3A_331 = arith.constant 0 : i32
      %dma_start3A_332 = tpu.memref_slice %arg13[%dma_start3A_328, %dma_start3A_330, %dma_start3A_331] : memref<2x128x128xf32, #tpu.memory_space<vmem>> -> memref<1x128x128xf32, #tpu.memory_space<vmem>>
      %dma_start3A_333 = tpu.memref_squeeze %dma_start3A_332 : memref<1x128x128xf32, #tpu.memory_space<vmem>> -> memref<128x128xf32, #tpu.memory_space<vmem>>
      %dma_start3A_334 = arith.constant 0 : i32
      %dma_start3A_335 = tpu.memref_slice %arg8[%add3A_327, %dma_start3A_334] : memref<819200x128xf32, #tpu.memory_space<hbm>> -> memref<128x128xf32, #tpu.memory_space<hbm>>
      %dma_start3A_336 = tpu.memref_slice %arg18[%dma_start3A_329] : memref<2x!tpu.dma_semaphore, #tpu.memory_space<semaphore_mem>> -> memref<1x!tpu.dma_semaphore, #tpu.memory_space<semaphore_mem>>
      %dma_start3A_337 = tpu.memref_squeeze %dma_start3A_336 : memref<1x!tpu.dma_semaphore, #tpu.memory_space<semaphore_mem>> -> memref<!tpu.dma_semaphore, #tpu.memory_space<semaphore_mem>>
      %dma_start3A_338 = arith.constant 0 : i32
      %dma_start3A_339 = tpu.memref_slice %arg8[%add3A_327, %dma_start3A_338] : memref<819200x128xf32, #tpu.memory_space<hbm>> -> memref<128x128xf32, #tpu.memory_space<hbm>>
      %dma_start3A_340 = arith.constant 0 : i32
      %dma_start3A_341 = arith.constant 0 : i32
      %dma_start3A_342 = tpu.memref_slice %arg13[%dma_start3A_328, %dma_start3A_340, %dma_start3A_341] : memref<2x128x128xf32, #tpu.memory_space<vmem>> -> memref<1x128x128xf32, #tpu.memory_space<vmem>>
      %dma_start3A_343 = tpu.memref_squeeze %dma_start3A_342 : memref<1x128x128xf32, #tpu.memory_space<vmem>> -> memref<128x128xf32, #tpu.memory_space<vmem>>
      tpu.enqueue_dma source(%dma_start3A_343 : memref<128x128xf32, #tpu.memory_space<vmem>>) target(%dma_start3A_339 : memref<128x128xf32, #tpu.memory_space<hbm>>) target_semaphore(%dma_start3A_337 : memref<!tpu.dma_semaphore, #tpu.memory_space<semaphore_mem>>)
    }
    %scan3A_157 = arith.constant 100 : i32
    %dma_wait3A_158 = arith.constant 0 : i32
    %dma_wait3A_159 = arith.constant 0 : i32
    %dma_wait3A_160 = arith.constant 0 : i32
    %dma_wait3A_161 = arith.constant 0 : i32
    %dma_wait3A_162 = tpu.memref_slice %arg13[%dma_wait3A_158, %dma_wait3A_160, %dma_wait3A_161] : memref<2x128x128xf32, #tpu.memory_space<vmem>> -> memref<1x128x128xf32, #tpu.memory_space<vmem>>
    %dma_wait3A_163 = tpu.memref_squeeze %dma_wait3A_162 : memref<1x128x128xf32, #tpu.memory_space<vmem>> -> memref<128x128xf32, #tpu.memory_space<vmem>>
    %dma_wait3A_164 = arith.constant 0 : i32
    %dma_wait3A_165 = arith.constant 0 : i32
    %dma_wait3A_166 = tpu.memref_slice %arg8[%dma_wait3A_164, %dma_wait3A_165] : memref<819200x128xf32, #tpu.memory_space<hbm>> -> memref<128x128xf32, #tpu.memory_space<hbm>>
    %dma_wait3A_167 = tpu.memref_slice %arg18[%dma_wait3A_159] : memref<2x!tpu.dma_semaphore, #tpu.memory_space<semaphore_mem>> -> memref<1x!tpu.dma_semaphore, #tpu.memory_space<semaphore_mem>>
    %dma_wait3A_168 = tpu.memref_squeeze %dma_wait3A_167 : memref<1x!tpu.dma_semaphore, #tpu.memory_space<semaphore_mem>> -> memref<!tpu.dma_semaphore, #tpu.memory_space<semaphore_mem>>
    %dma_wait3A_169 = arith.constant 0 : i32
    %dma_wait3A_170 = arith.constant 0 : i32
    %dma_wait3A_171 = tpu.memref_slice %arg8[%dma_wait3A_169, %dma_wait3A_170] : memref<819200x128xf32, #tpu.memory_space<hbm>> -> memref<128x128xf32, #tpu.memory_space<hbm>>
    %dma_wait3A_172 = arith.constant 0 : i32
    %dma_wait3A_173 = arith.constant 0 : i32
    %dma_wait3A_174 = tpu.memref_slice %arg13[%dma_wait3A_158, %dma_wait3A_172, %dma_wait3A_173] : memref<2x128x128xf32, #tpu.memory_space<vmem>> -> memref<1x128x128xf32, #tpu.memory_space<vmem>>
    %dma_wait3A_175 = tpu.memref_squeeze %dma_wait3A_174 : memref<1x128x128xf32, #tpu.memory_space<vmem>> -> memref<128x128xf32, #tpu.memory_space<vmem>>
    tpu.wait_dma2 semaphore(%dma_wait3A_168 : memref<!tpu.dma_semaphore, #tpu.memory_space<semaphore_mem>>) src(%dma_wait3A_175 : memref<128x128xf32, #tpu.memory_space<vmem>>) dst(%dma_wait3A_171 : memref<128x128xf32, #tpu.memory_space<hbm>>)
    %dma_wait3A_176 = arith.constant 1 : i32
    %dma_wait3A_177 = arith.constant 1 : i32
    %dma_wait3A_178 = arith.constant 0 : i32
    %dma_wait3A_179 = arith.constant 0 : i32
    %dma_wait3A_180 = tpu.memref_slice %arg13[%dma_wait3A_176, %dma_wait3A_178, %dma_wait3A_179] : memref<2x128x128xf32, #tpu.memory_space<vmem>> -> memref<1x128x128xf32, #tpu.memory_space<vmem>>
    %dma_wait3A_181 = tpu.memref_squeeze %dma_wait3A_180 : memref<1x128x128xf32, #tpu.memory_space<vmem>> -> memref<128x128xf32, #tpu.memory_space<vmem>>
    %dma_wait3A_182 = arith.constant 0 : i32
    %dma_wait3A_183 = arith.constant 0 : i32
    %dma_wait3A_184 = tpu.memref_slice %arg8[%dma_wait3A_182, %dma_wait3A_183] : memref<819200x128xf32, #tpu.memory_space<hbm>> -> memref<128x128xf32, #tpu.memory_space<hbm>>
    %dma_wait3A_185 = tpu.memref_slice %arg18[%dma_wait3A_177] : memref<2x!tpu.dma_semaphore, #tpu.memory_space<semaphore_mem>> -> memref<1x!tpu.dma_semaphore, #tpu.memory_space<semaphore_mem>>
    %dma_wait3A_186 = tpu.memref_squeeze %dma_wait3A_185 : memref<1x!tpu.dma_semaphore, #tpu.memory_space<semaphore_mem>> -> memref<!tpu.dma_semaphore, #tpu.memory_space<semaphore_mem>>
    %dma_wait3A_187 = arith.constant 0 : i32
    %dma_wait3A_188 = arith.constant 0 : i32
    %dma_wait3A_189 = tpu.memref_slice %arg8[%dma_wait3A_187, %dma_wait3A_188] : memref<819200x128xf32, #tpu.memory_space<hbm>> -> memref<128x128xf32, #tpu.memory_space<hbm>>
    %dma_wait3A_190 = arith.constant 0 : i32
    %dma_wait3A_191 = arith.constant 0 : i32
    %dma_wait3A_192 = tpu.memref_slice %arg13[%dma_wait3A_176, %dma_wait3A_190, %dma_wait3A_191] : memref<2x128x128xf32, #tpu.memory_space<vmem>> -> memref<1x128x128xf32, #tpu.memory_space<vmem>>
    %dma_wait3A_193 = tpu.memref_squeeze %dma_wait3A_192 : memref<1x128x128xf32, #tpu.memory_space<vmem>> -> memref<128x128xf32, #tpu.memory_space<vmem>>
    tpu.wait_dma2 semaphore(%dma_wait3A_186 : memref<!tpu.dma_semaphore, #tpu.memory_space<semaphore_mem>>) src(%dma_wait3A_193 : memref<128x128xf32, #tpu.memory_space<vmem>>) dst(%dma_wait3A_189 : memref<128x128xf32, #tpu.memory_space<hbm>>)
    return
  }
}

</mosaic_0001>

<sc_bundles>
// kernel: kernel.3.cloned.1.call-start
scs
__scs_entry_jumppad:
0x0: {  	(pc) =	sbr.rel $0x88, $3  }
0x1: {  	(tag) =	ssettag $0x0;
	lr =	simm.s32 $0x1  }
0x2: {  	[smem:$0x3F9B] =	sst lr;
	_ =	strace $0xD0000000  }
0x3: {  	_ = 	snop  }
0x4: {  	_ = 	snop  }
0x5: {  	_ = 	snop  }
0x6: {  	_ = 	snop  }
0x7: {  	_ = 	snop  }
__scs_overlays_trampoline_lowered:
0x8: {  	[smem:$0x3FAA] =	sst s0  }
0x9: {  	[smem:$0x3FAB] =	sst s1  }
0xa: {  	[smem:$0x3FAC] =	sst s2  }
0xb: {  	[smem:$0x3FAD] =	sst s3  }
0xc: {  	[smem:$0x3FAE] =	sst s4  }
0xd: {  	[smem:$0x3FAF] =	sst s5  }
0xe: {  	[smem:$0x3FB0] =	sst s6  }
0xf: {  	[smem:$0x3FB1] =	sst s7  }
0x10: {  	[smem:$0x3FB2] =	sst s8  }
0x11: {  	[smem:$0x3FB3] =	sst s9;
	s0 =	simm.s32 @!p0 $0x0  }
0x12: {  	s1 =	sld [smem:$0x3F99];
	s0 =	simm.s32 @p0 $0x1  }
0x13: {  	[smem:$0x3FB4] =	sst s0;
	s0 =	simm.s32 @!p1 $0x0  }
0x14: {  	s2 =	sld [smem:$0x3F98];
	s0 =	simm.s32 @p1 $0x1  }
0x15: {  	[smem:$0x3FB5] =	sst s0;
	s0 =	simm.s32 @!p2 $0x0  }
0x16: {  	s3 =	sld [smem:$0x3FDB];
	s0 =	simm.s32 @p2 $0x1  }
0x17: {  	s4 =	simm.s32 $0x1BF5;
	[smem:$0x3FB7] =	sst s0  }
0x18: {  	s0 =	sld [smem:$0x3F9A];
	_ =	swait.ge [sflag:s4], $0x0  }
0x19: {  	s7 =	sld [smem:$0x3F9B]  }
0x1a: {  	s8 =	sadd.s32 $0xFFFFE003, lr  }
0x1b: {  	s9 =	sadd.s32 $0xFFFFFEF7, lr;
	s5 =	simm.s32 $0xFFFFFFFF;
	p2 =	slt.u32 s8, $0xFFFFF086  }
0x1c: {  	p1 =	slt.u32 s9, $0xF7A;
	s5 =	simm.s32 @!p2 $0x0  }
0x1d: {  	s5 =	simm.s32 @p1 $0x1;
	p0 =	seq.s32 s7, s2  }
0x1e: {  	s7 =	smul.u32 @!p0 $0xF7A, s2;
	p2 =	seq.s32 @!p0 s5, $0x0  }
0x1f: {  	s9 =	smul.u32 $0xF7A, s1;
	s8 =	simm.s32 @!p0 $0x1BF5;
	p2 =	por !p2, p0  }
0x20: {  	[sflag:s8] =	ssyncset.s32 @!p0 $0xFFFFF086;
	s6 =	sadd.s32 @!p0 s3, s7;
	s7 =	simm.s32 @!p0 $0x108  }
0x21: {  	s3 =	sadd.s32 s3, s9;
	s6 =	sadd.s32 @!p0 $0x88, s6;
	s7 =	simm.s32 @p2 $0x1082  }
0x22: {  	[simem:s7], [sflag:s8] =	dma.local @!p0 [hbm:s6], $0xF7A  }
0x23: {  	s9 =	sor.u32 $0xD0000000, s2;
	s6 =	simm.s32 $0x108;
	_ =	swait.ge @!p0 [sflag:s8], $0x0  }
0x24: {  	s3 =	sadd.s32 $0x88, s3;
	s6 =	simm.s32 @!p1 $0x1082;
	[sflag:s4] =	ssyncset.s32 $0xFFFFF086  }
0x25: {  	[simem:s6], [sflag:s4] =	dma.local [hbm:s3], $0xF7A  }
0x26: {  	[smem:$0x3F9B] =	sst s1;
	(tag) =	ssettag s2;
	_ =	strace s9  }
0x27: {  	s1 =	sld [smem:$0x3FAB]  }
0x28: {  	s2 =	sld [smem:$0x3FAC]  }
0x29: {  	s4 =	sld [smem:$0x3FAE]  }
0x2a: {  	p0 =	seq.s32 s5, $0x0;
	s5 =	sld [smem:$0x3FAF]  }
0x2b: {  	s6 =	sld [smem:$0x3FB0]  }
0x2c: {  	s7 =	sld [smem:$0x3FB1]  }
0x2d: {  	s3 =	simm.s32 $0x108;
	s8 =	sld [smem:$0x3FB2]  }
0x2e: {  	s3 =	simm.s32 @!p0 $0x1082;
	s9 =	sld [smem:$0x3FB3]  }
0x2f: {  	lr =	sadd.s32 s0, s3;
	s0 =	sld [smem:$0x3FAA]  }
0x30: {  	s3 =	sld [smem:$0x3FAD]  }
0x31: {  	[smem:$0x3FB6] =	sst s10  }
0x32: {  	s10 =	sld [smem:$0x3FB4];
	_ =	sdelay $0x3  }
0x33: {  	p0 =	seq.s32 s10, $0x1;
	s10 =	sld [smem:$0x3FB6];
	_ =	sdelay $0x3  }
0x34: {  	[smem:$0x3FB6] =	sst s10  }
0x35: {  	s10 =	sld [smem:$0x3FB5];
	_ =	sdelay $0x3  }
0x36: {  	p1 =	seq.s32 s10, $0x1;
	s10 =	sld [smem:$0x3FB6];
	_ =	sdelay $0x3  }
0x37: {  	[smem:$0x3FB6] =	sst s10  }
0x38: {  	s10 =	sld [smem:$0x3FB7]  }
0x39: {  	_ = 	snop;
	(pc) =	sbr.ind lr, $3  }
0x3a: {  	_ = 	snop  }
0x3b: {  	_ = 	snop  }
0x3c: {  	p2 =	seq.s32 s10, $0x1;
	s10 =	sld [smem:$0x3FB6]  }
0x3d: {  	_ =	shalt  }
0x3e: {  	_ =	shalt  }
0x3f: {  	_ =	shalt  }
0x40: {  	_ =	shalt  }
0x41: {  	_ =	shalt  }
0x42: {  	_ =	shalt  }
0x43: {  	_ =	shalt  }
0x44: {  	_ =	shalt  }
0x45: {  	_ =	shalt  }
0x46: {  	_ =	shalt  }
0x47: {  	_ =	shalt  }
0x48: {  	_ =	shalt  }
0x49: {  	_ =	shalt  }
0x4a: {  	_ =	shalt  }
0x4b: {  	_ =	shalt  }
0x4c: {  	_ =	shalt  }
0x4d: {  	_ =	shalt  }
0x4e: {  	_ =	shalt  }
0x4f: {  	_ =	shalt  }
0x50: {  	_ =	shalt  }
0x51: {  	_ =	shalt  }
0x52: {  	_ =	shalt  }
0x53: {  	_ =	shalt  }
0x54: {  	_ =	shalt  }
0x55: {  	_ =	shalt  }
0x56: {  	_ =	shalt  }
0x57: {  	_ =	shalt  }
0x58: {  	_ =	shalt  }
0x59: {  	_ =	shalt  }
0x5a: {  	_ =	shalt  }
0x5b: {  	_ =	shalt  }
0x5c: {  	_ =	shalt  }
0x5d: {  	_ =	shalt  }
0x5e: {  	_ =	shalt  }
0x5f: {  	_ =	shalt  }
0x60: {  	_ =	shalt  }
0x61: {  	_ =	shalt  }
0x62: {  	_ =	shalt  }
0x63: {  	_ =	shalt  }
0x64: {  	_ =	shalt  }
0x65: {  	_ =	shalt  }
0x66: {  	_ =	shalt  }
0x67: {  	_ =	shalt  }
0x68: {  	_ =	shalt  }
0x69: {  	_ =	shalt  }
0x6a: {  	_ =	shalt  }
0x6b: {  	_ =	shalt  }
0x6c: {  	_ =	shalt  }
0x6d: {  	_ =	shalt  }
0x6e: {  	_ =	shalt  }
0x6f: {  	_ =	shalt  }
0x70: {  	_ =	shalt  }
0x71: {  	_ =	shalt  }
0x72: {  	_ =	shalt  }
0x73: {  	_ =	shalt  }
0x74: {  	_ =	shalt  }
0x75: {  	_ =	shalt  }
0x76: {  	_ =	shalt  }
0x77: {  	_ =	shalt  }
0x78: {  	_ =	shalt  }
0x79: {  	_ =	shalt  }
0x7a: {  	_ =	shalt  }
0x7b: {  	_ =	shalt  }
0x7c: {  	_ =	shalt  }
0x7d: {  	_ =	shalt  }
0x7e: {  	_ =	shalt  }
0x7f: {  	_ =	shalt  }
0x80: {  	_ =	shalt  }
0x81: {  	_ =	shalt  }
0x82: {  	_ =	shalt  }
0x83: {  	_ =	shalt  }
0x84: {  	_ =	shalt  }
0x85: {  	_ =	shalt  }
0x86: {  	_ =	shalt  }
0x87: {  	_ =	shalt  }
.Lfunc_end0:
.L_simem_size_0:
called_computation_lowered:
.L_overlay_start_0:
0x88: {  	s2 =	sld [smem:$0x3FD9]  }
0x89: {  	s3 =	sld [smem:$0x3FFE];
	_ =	sdelay $0x1  }
0x8a: {  	s1 =	srdreg.scid  }
0x8b: {  	s0 =	sand.u32 $0x1, s1  }
0x8c: {  	s17 =	sshll.u32 s0, $0xA;
	s2 =	sadd.s32 s3, s2  }
0x8d: {  	s2 =	sadd.s32 s2, s17  }
0x8e: {  	[smem:$0x3FC2] =	sst s2  }
0x8f: {  	_ = 	snop  }
0x90: {  	s2 =	sld [smem:$0x3FC7]  }
0x91: {  	s18 =	sld [smem:$0x3FC6]  }
0x92: {  	s4 =	sld [smem:$0x3FC5]  }
0x93: {  	s5 =	sld [smem:$0x3FC4]  }
0x94: {  	s6 =	sld [smem:$0x3FD0];
	(tm) =	ssettm $0x1  }
0x95: {  	s7 =	sld [smem:$0x3FFB];
	_ =	sdelay $0x3  }
0x96: {  	_ =	strace s7  }
0x97: {  	s7 =	sld [smem:$0x3FFC];
	_ =	sdelay $0x3  }
0x98: {  	_ =	strace s7  }
0x99: {  	s7 =	sld [smem:$0x3FFD];
	_ =	sdelay $0x3  }
0x9a: {  	_ =	strace s7  }
0x9b: {  	_ =	strace $0x8FFFFFFF  }
0x9c: {  	s19 =	sld [smem:$0x3FDB];
	_ =	sdelay $0x1  }
0x9d: {  	s8 =	simm.s32 $_scs_section_size  }
0x9e: {  	s9 =	simm.s32 $_size__tile_overlayer_lowered;
	s10 =	simm.s32 $_tile_overlayer_lowered  }
0x9f: {  	s22 =	simm.s32 $0x1BFF;
	s21 =	sshll.u32 s10, $0x1;
	s7 =	sadd.s32 s8, s19  }
0xa0: {  	s11 =	simm.s32 $0x0;
	s20 =	sshll.u32 s9, $0x1;
	s9 =	sadd.s32 s21, s7  }
0xa1: {  	[timem:s11], [sflag:s22] =	dma.local [hbm:s9], s20  }
0xa2: {  	_ =	swait.ge [sflag:s22], s20  }
0xa3: {  	s8 =	ssub.s32 $0x0, s20;
	[sflag:s22] =	ssyncset.done $0x0  }
0xa4: {  	[sflag:s22] =	ssyncadd.s32 s8;
	_ =	sdelay $0x1  }
0xa5: {  	s23 =	simm.s32 $0x1B8B  }
0xa6: {  	_ =	swait.ge [sflag:s23], $0x1  }
0xa7: {  	[sflag:s23] =	ssyncset.done $0x0  }
0xa8: {  	s25 =	simm.s32 $0x1B8E;
	s24 =	sld [smem:$0x3FFE];
	[sflag:s23] =	ssyncadd.s32 $0xFFFFFFFF  }
0xa9: {  	s26 =	simm.s32 $execute0_lowered;
	[smem:$0x3FD2] =	sst s25  }
0xaa: {  	s9 =	sshll.u32 s26, $0x1;
	_ =	strace $0x80000046;
	[dreg:$0x1] =	wrdreg $0xFFFFFFFF  }
0xab: {  	s28 =	simm.s32 $_size_execute0_lowered;
	s7 =	sadd.s32 s7, s9;
	[dreg:$0x0] =	wrdreg $0x0  }
0xac: {  	s9 =	sshll.u32 s28, $0x1;
	[dreg:$0x2] =	wrdreg s7  }
0xad: {  	[dreg:$0x3] =	wrdreg s9  }
0xae: {  	[dreg:$0x4] =	wrdreg $0xC0  }
0xaf: {  	_ =	task [dreg:s11], $0x5FFFF  }
0xb0: {  	[dreg:$0x1] =	wrdreg $0xFFFFFFFF  }
0xb1: {  	[dreg:$0x0] =	wrdreg $0x60  }
0xb2: {  	[dreg:$0x2] =	wrdreg s24  }
0xb3: {  	[dreg:$0x3] =	wrdreg s2  }
0xb4: {  	[dreg:$0x4] =	wrdreg s18  }
0xb5: {  	[dreg:$0x5] =	wrdreg s4  }
0xb6: {  	[dreg:$0x6] =	wrdreg s5  }
0xb7: {  	[dreg:$0x7] =	wrdreg s6  }
0xb8: {  	[dreg:$0x8] =	wrdreg $0x9  }
0xb9: {  	_ =	task.clear_ibuf [dreg:s11], $0x9FFFF;
	_ =	strace $0x90000046  }
0xba: {  	s29 =	simm.s32 $0x9;
	_ =	strace $0x80000048  }
0xbb: {  	_ =	swait.ge [sflag:s29], $0x1  }
0xbc: {  	[sflag:s29] =	ssyncadd.s32 $0xFFFFFFFF  }
0xbd: {  	_ =	strace $0x90000048  }
0xbe: {  	_ =	sfence  }
0xbf: {  	s30 =	sld [smem:$0x0];
	_ =	sdelay $0x2  }
0xc0: {  	s31 =	sshll.u32 s1, $0xD;
	s1 =	sshrl.u32 s1, $0x2  }
0xc1: {  	s3 =	sand.u32 $0x4000, s31;
	s1 =	sadd.s32 s1, s30  }
0xc2: {  	s0 =	sor.u32 s3, s0;
	s1 =	sshll.u32 s1, $0x11  }
0xc3: {  	s0 =	sor.u32 s1, s0  }
0xc4: {  	s0 =	sadd.s32 $0x8F2B, s0  }
0xc5: {  	[sflag:s0] =	ssyncadd.remote.s32 $0x1  }
0xc6: {  	_ =	sfence.sel $0xFFFF  }
0xc7: {  	[dreg:$0x0] =	wrdreg $0xFFFFFFFF;
	(pc) =	sbr.abs _section_cstart, $3  }
0xc8: {  	[dreg:$0x1] =	wrdreg $0xFFFFFFFF  }
0xc9: {  	_ =	task.clear_ibuf [dreg:s11], $0x2FFFF;
	_ =	strace $0x9FFFFFFF  }
0xca: {  	(tm) =	ssettm $0x7FFFFFFF  }
0xcb: {  	_ =	shalt  }
tec
execute0_lowered:
.L_overlay_start_1:
0x0: {  	(tag) =	ssettag $0x1  }
0x1: {  	s1 =	rddreg [dreg:$0x0]  }
0x2: {  	s0 =	rddreg [dreg:$0x1]  }
0x3: {  	s2 =	rddreg [dreg:$0x2]  }
0x4: {  	s3 =	srdreg.scid;
	s4 =	stileid.u32  }
0x5: {  	s6 =	rddreg [dreg:$0x5];
	s7 =	simm.s32 $0x0;
	s19 =	simm.s32 $0x7  }
0x6: {  	s28 =	simm.s32 $0x2;
	s29 =	simm.s32 $0x4200;
	s30 =	simm.s32 $0xC200  }
0x7: {  	s31 =	simm.s32 $0x3;
	s18 =	simm.s32 $0x6;
	s20 =	simm.s32 $0x0  }
0x8: {  	s3 =	sand.u32 $0x1, s3;
	s4 =	sshll.u32 s4, $0x1;
	[smem:$0x7FF] =	sst s7  }
0x9: {  	s8 =	sadd.s32 $0x600, s1;
	s9 =	sadd.s32 $0x19600, s1;
	s4 =	sor.u32 s3, s4  }
0xa: {  	_ =	strace $0x80000047;
	s3 =	ssub.s32 $0x2, s3;
	s5 =	smul.u32 $0x6400, s4  }
0xb: {  	s10 =	sshrl.u32 s3, $0x1;
	s15 =	smul.u32 $0x320000, s4;
	s4 =	simm.s32 $0x10200  }
0xc: {  	s22 =	ssub.s32 s3, s10;
	s11 =	sshrl.u32 s5, $0x3;
	s14 =	sor.u32 $0x100, s5  }
0xd: {  	s16 =	sor.u32 $0x180, s5;
	s1 =	smax.u32 s22, $0x1;
	s22 =	simm.s32 $0x80  }
0xe: {  	s5 =	simm.s32 $0x5;
	s24 =	sadd.s32 s8, s11;
	[dreg:$0xb] =	wrdreg s1  }
0xf: {  	s23 =	sor.u32 $0x10, s11;
	s25 =	sadd.s32 s9, s11;
	[dreg:$0x7] =	wrdreg s24  }
0x10: {  	s1 =	simm.s32 $0x4;
	[dreg:$0x8] =	wrdreg s25;
	s26 =	sadd.s32 s8, s23  }
0x11: {  	s3 =	sadd.s32 s9, s23;
	s23 =	simm.s32 $0x180;
	[dreg:$0x9] =	wrdreg s26  }
0x12: {  	v0 =	vimm.s32 $0xF;
	s24 =	simm.s32 $0x1;
	[dreg:$0xa] =	wrdreg s3;
	s3 =	simm.s32 $0x14200  }
.LBB2_1:
0x13: {  	s10 =	rddreg [dreg:$0x3];
	s11 =	simm.s32 $0x18200  }
0x14: {  	[tilespmem:s11], [sflag:$0x7] =	stream.linear.gather [hbm4b:s10+s7], $0x80, $0x38;
	[tilespmem:$0x18300] =	vst v63  }
0x15: {  	_ =	swait.ge [sflag:s19], $0x80  }
0x16: {  	[sflag:s19] =	ssyncset.done $0x0  }
0x17: {  	[sflag:s19] =	ssyncadd.s32 $0xFFFFFF80  }
0x18: {  	s26 =	simm.s32 $0x18280;
	s25 =	rddreg [dreg:$0x4]  }
0x19: {  	[tilespmem:s26], [sflag:$0x7] =	stream.linear.gather [hbm4b:s25+s7], $0x80, $0x38;
	[tilespmem:$0x18300] =	vst v63  }
0x1a: {  	_ =	swait.ge [sflag:s19], $0x80  }
0x1b: {  	[sflag:s19] =	ssyncset.done $0x0  }
0x1c: {  	[sflag:s19] =	ssyncadd.s32 $0xFFFFFF80  }
0x1d: {  	v1 =	vld [tilespmem:$0x18200]  }
0x1e: {  	v2 =	vld [tilespmem:$0x18210]  }
0x1f: {  	v3 =	vld [tilespmem:$0x18220]  }
0x20: {  	v4 =	vld [tilespmem:$0x18230]  }
0x21: {  	v5 =	vld [tilespmem:$0x18240]  }
0x22: {  	v6 =	vld [tilespmem:$0x18250]  }
0x23: {  	v7 =	vld [tilespmem:$0x18260]  }
0x24: {  	v8 =	vld [tilespmem:$0x18270]  }
0x25: {  	v9 =	vld [tilespmem:$0x18280]  }
0x26: {  	v10 =	vld [tilespmem:$0x18290]  }
0x27: {  	v11 =	vld [tilespmem:$0x182A0]  }
0x28: {  	v12 =	vld [tilespmem:$0x182B0]  }
0x29: {  	v13 =	vld [tilespmem:$0x182C0]  }
0x2a: {  	v14 =	vld [tilespmem:$0x182D0]  }
0x2b: {  	s11 =	rddreg [dreg:$0x7];
	v15 =	vld [tilespmem:$0x182E0]  }
0x2c: {  	v16 =	vld [tilespmem:$0x182F0];
	[tilespmem:s7], [sflag:$0x1] =	stream.linear.gather [hbm4b:s11+s7], $0x80, $0x38  }
0x2d: {  	s13 =	simm.s32 $0x100;
	s12 =	rddreg [dreg:$0x8]  }
0x2e: {  	[tilespmem:s13], [sflag:$0x1] =	stream.linear.gather [hbm4b:s12+s7], $0x80, $0x38;
	[tilespmem:$0x18300] =	vst v63  }
0x2f: {  	s17 =	rddreg [dreg:$0x9]  }
0x30: {  	[tilespmem:s22], [sflag:$0x2] =	stream.linear.gather [hbm4b:s17+s7], $0x80, $0x38;
	[tilespmem:$0x18300] =	vst v63  }
0x31: {  	s21 =	rddreg [dreg:$0xa]  }
0x32: {  	[tilespmem:s23], [sflag:$0x2] =	stream.linear.gather [hbm4b:s21+s7], $0x80, $0x38;
	[tilespmem:$0x18300] =	vst v63  }
0x33: {  	_ =	swait.ge [sflag:s24], $0x80  }
0x34: {  	[sflag:s24] =	ssyncset.done $0x0  }
0x35: {  	[sflag:s24] =	ssyncadd.s32 $0xFFFFFF80  }
0x36: {  	_ =	swait.ge [sflag:s24], $0x80  }
0x37: {  	[sflag:s24] =	ssyncset.done $0x0  }
0x38: {  	s25 =	simm.s32 $0x200;
	[sflag:s24] =	ssyncadd.s32 $0xFFFFFF80  }
0x39: {  	[tilespmem:s25], [sflag:$0x3] =	stream.indirect.gather [hbm4b:s0+s22], $0x80, s7, s22, $0xb8;
	[tilespmem:$0x18300] =	vst v63  }
0x3a: {  	s26 =	simm.s32 $0x8200;
	s25 =	simm.s32 $0x0  }
0x3b: {  	[tilespmem:s26], [sflag:$0x3] =	stream.indirect.gather [hbm4b:s2+s22], $0x80, s13, s22, $0xb8;
	[tilespmem:$0x18300] =	vst v63  }
.LBB2_2:
0x3c: {  	_ =	swait.ge [sflag:s28], $0x80  }
0x3d: {  	[sflag:s28] =	ssyncset.done $0x0  }
0x3e: {  	[sflag:s28] =	ssyncadd.s32 $0xFFFFFF80  }
0x3f: {  	_ =	swait.ge [sflag:s28], $0x80  }
0x40: {  	[sflag:s28] =	ssyncset.done $0x0  }
0x41: {  	[sflag:s28] =	ssyncadd.s32 $0xFFFFFF80  }
0x42: {  	[tilespmem:s29], [sflag:$0x4] =	stream.indirect.gather [hbm4b:s0+s22], $0x80, s22, s22, $0xb8;
	[tilespmem:$0x18300] =	vst v63  }
0x43: {  	_ = 	snop  }
0x44: {  	[tilespmem:s30], [sflag:$0x4] =	stream.indirect.gather [hbm4b:s2+s22], $0x80, s23, s22, $0xb8;
	[tilespmem:$0x18300] =	vst v63  }
0x45: {  	_ =	swait.ge [sflag:s31], $0x4000  }
0x46: {  	p0 =	seq.s32 s25, $0x63;
	[sflag:s31] =	ssyncset.done $0x0  }
0x47: {  	s26 =	sshll.u32 @!p0 s25, $0x8;
	p1 =	seq.s32 @!p0 s25, $0x0;
	[sflag:s31] =	ssyncadd.s32 $0xFFFFC000  }
0x48: {  	s10 =	sadd.s32 @!p0 s26, s14;
	p1 =	por p0, !p1;
	_ =	swait.ge [sflag:s31], $0x4000  }
.Ltmp0:
0x49: {  	s10 =	sshrl.u32 @!p0 s10, $0x3;
	[sflag:s31] =	ssyncset.done $0x0;
	(pc) =	sbr.rel @!p1 .LBB2_3-.Ltmp0, $4  }
0x4a: {  	s12 =	simm.s32 @!p0 $0x0;
	s11 =	sadd.s32 @!p0 s8, s10;
	[sflag:s31] =	ssyncadd.s32 $0xFFFFC000  }
0x4b: {  	[tilespmem:s12], [sflag:$0x1] =	stream.linear.gather @!p0 [hbm4b:s11+s12], $0x80, $0x38;
	[tilespmem:$0x18300] =	vst v63  }
0x4c: {  	s10 =	sadd.s32 @!p0 s9, s10;
	s11 =	simm.s32 @!p0 $0x100  }
0x4d: {  	[tilespmem:s11], [sflag:$0x1] =	stream.linear.gather @!p0 [hbm4b:s10+s12], $0x80, $0x38;
	[tilespmem:$0x18300] =	vst v63  }
.Ltmp1:
0x4e: {  	(pc) =	sbr.rel .LBB2_5-.Ltmp1, $4  }
0x4f: {  	_ = 	snop  }
0x50: {  	_ =	swait.ge [sflag:s5], $0x4000  }
0x51: {  	[sflag:s5] =	ssyncset.done $0x0  }
0x52: {  	p1 =	por $0x0, $0x0;
	[sflag:s5] =	ssyncadd.s32 $0xFFFFC000  }
.LBB2_3:
0x53: {  	p1 =	por @!p0 $0x1, $0x1  }
.LBB2_5:
0x54: {  	s21 =	simm.s32 $0x0  }
0x55: {  	v17 =	vld [tilespmem:s21+$0x8220]  }
0x56: {  	v18 =	vld [tilespmem:s21+$0x8270]  }
0x57: {  	v19 =	vld [tilespmem:s21+$0x8230]  }
0x58: {  	v20 =	vld [tilespmem:s21+$0x8200]  }
0x59: {  	v21 =	vld [tilespmem:s21+$0x8260]  }
0x5a: {  	v22 =	vld [tilespmem:s21+$0x8210]  }
0x5b: {  	v23 =	vld [tilespmem:s21+$0x8250]  }
0x5c: {  	v24 =	vld [tilespmem:s21+$0x8240]  }
0x5d: {  	v25 =	vld [tilespmem:s21+$0x220]  }
0x5e: {  	v26 =	vld [tilespmem:s21+$0x270]  }
0x5f: {  	v27 =	vld [tilespmem:s21+$0x250]  }
0x60: {  	v28 =	vld [tilespmem:s21+$0x240]  }
0x61: {  	v29 =	vld [tilespmem:s21+$0x210]  }
0x62: {  	v31 =	vld [tilespmem:s21+$0x260]  }
0x63: {  	v30 =	vld [tilespmem:s21+$0x230]  }
0x64: {  	v32 =	vld [tilespmem:s21+$0x200]  }
0x65: {  	v26 =	vadd.f32 v18, v26;
	v27 =	vadd.f32 v23, v27  }
0x66: {  	v24 =	vadd.f32 v24, v28;
	v33 =	vadd.f32 v17, v25  }
0x67: {  	v29 =	vadd.f32 v22, v29;
	v31 =	vadd.f32 v21, v31  }
0x68: {  	v19 =	vadd.f32 v19, v30;
	v17 =	vmul.f32 v26, v26;
	v18 =	vmul.f32 v24, v24  }
0x69: {  	v30 =	vadd.f32 v20, v32;
	v21 =	vmul.f32 v27, v27;
	v22 =	vmul.f32 v29, v29  }
0x6a: {  	s10 =	simm.s32 $0x80;
	v20 =	vadd.f32 v27, v24;
	v23 =	vmul.f32 v31, v31;
	v25 =	vmul.f32 v33, v33  }
0x6b: {  	v35 =	vld [tilespmem:s10+$0x8230];
	v28 =	vadd.f32 v26, v31;
	v49 =	vmul.f32 v19, v19;
	v34 =	vmul.f32 v30, v30  }
0x6c: {  	v52 =	vld [tilespmem:s10+$0x240];
	v18 =	vadd.f32 v21, v18;
	v17 =	vadd.f32 v17, v23  }
0x6d: {  	v53 =	vld [tilespmem:s10+$0x220];
	v23 =	vadd.f32 v49, v25;
	v22 =	vadd.f32 v22, v34  }
0x6e: {  	v37 =	vld [tilespmem:s10+$0x210];
	v50 =	vadd.f32 v19, v33;
	v51 =	vadd.f32 v29, v30  }
0x6f: {  	v38 =	vld [tilespmem:s10+$0x260];
	v22 =	vadd.f32 v23, v22;
	v17 =	vadd.f32 v17, v18  }
0x70: {  	v39 =	vld [tilespmem:s10+$0x230];
	v18 =	vadd.f32 v28, v20;
	v20 =	vadd.f32 v50, v51  }
0x71: {  	v21 =	vld [tilespmem:s10+$0x8220];
	v17 =	vadd.f32 v17, v22  }
0x72: {  	v25 =	vld [tilespmem:s10+$0x8270];
	v18 =	vadd.f32 v18, v20  }
0x73: {  	v28 =	vld [tilespmem:s10+$0x8210];
	(xrf2) =	vadd.scan.msk.f32 $0xffff, v17  }
0x74: {  	v22 =	vld [tilespmem:s10+$0x8250];
	(xrf2) =	vadd.scan.msk.f32 $0xffff, v18  }
0x75: {  	v20 =	vld [tilespmem:s10+$0x8240]  }
0x76: {  	v17 =	vld [tilespmem:s10+$0x270]  }
0x77: {  	v18 =	vld [tilespmem:s10+$0x250]  }
0x78: {  	v23 =	vld [tilespmem:s10+$0x8260]  }
0x79: {  	v21 =	vadd.f32 v21, v53  }
0x7a: {  	v36 =	vld [tilespmem:s10+$0x8200];
	v20 =	vadd.f32 v20, v52  }
0x7b: {  	v40 =	vld [tilespmem:s10+$0x200];
	v62 =	vmul.f32 v21, v21;
	v17 =	vadd.f32 v25, v17  }
0x7c: {  	v25 =	vadd.f32 v28, v37;
	v56 =	vmul.f32 v20, v20;
	v22 =	vadd.f32 v22, v18  }
0x7d: {  	v18 =	vadd.f32 v23, v38;
	v23 =	vadd.f32 v35, v39;
	v54 =	vmul.f32 v17, v17;
	v28, _, _ =	vpop (xrf2)  }
0x7e: {  	s11 =	simm.s32 $0x100;
	v58 =	vmul.f32 v25, v25;
	v55 =	vadd.f32 v22, v20;
	v57 =	vmul.f32 v22, v22;
	v41, _, _ =	vpop (xrf2)  }
0x7f: {  	v63 =	vld [tilespmem:s11+$0x8220];
	v42 =	vmul.f32 v18, v18;
	v61 =	vadd.f32 v17, v18;
	v59 =	vperm.xlane v41, v0  }
0x80: {  	v48 =	vld [tilespmem:s11+$0x250];
	v43 =	vadd.f32 v23, v21;
	v60 =	vperm.xlane v28, v0;
	v28 =	vadd.f32 v36, v40  }
0x81: {  	v51 =	vld [tilespmem:s11+$0x8210];
	v44 =	vmul.f32 v23, v23;
	v37 =	vadd.f32 v57, v56;
	v39 =	vmul.f32 $7.812500000e-03, v59  }
0x82: {  	v32 =	vadd.f32 v54, v42;
	v42 =	vld [tilespmem:s11+$0x8230];
	v34 =	vadd.f32 v61, v55;
	v45 =	vmul.f32 v28, v28  }
0x83: {  	v56 =	vld [tilespmem:s11+$0x220];
	v40 =	vadd.f32 v44, v62;
	v41 =	vmul.f32 $7.812500000e-03, v60;
	v46 =	vmul.f32 v39, v39  }
0x84: {  	v61 =	vld [tilespmem:s11+$0x210];
	v53 =	vadd.f32 v25, v28;
	v35 =	vadd.f32 v58, v45  }
0x85: {  	v44 =	vld [tilespmem:s11+$0x8270];
	v32 =	vadd.f32 v32, v37;
	v41 =	vsub.f32 v41, v46  }
0x86: {  	v62 =	vld [tilespmem:s11+$0x260];
	v55 =	vadd.f32 v43, v53;
	v35 =	vadd.f32 v40, v35  }
0x87: {  	v58 =	vld [tilespmem:s11+$0x270];
	v50 =	vsub.f32 v29, v39;
	v54 =	vadd.f32 $9.999999960e-13, v41  }
0x88: {  	v29 =	vld [tilespmem:s11+$0x240];
	v36 =	vsub.f32 v27, v39;
	v32 =	vadd.f32 v32, v35  }
0x89: {  	v27 =	vadd.f32 v63, v56;
	v63 =	vld [tilespmem:s11+$0x230];
	v34 =	vadd.f32 v34, v55;
	v57 =	vshra.s32 v54, $0x1  }
0x8a: {  	v49 =	vsub.f32 v30, v39;
	v52 =	vsub.f32 v33, v39;
	v40 =	vld [tilespmem:s11+$0x8260];
	(xrf2) =	vadd.scan.msk.f32 $0xffff, v32;
	v47 =	vsub.s32 $0x5F3759DF, v57  }
0x8b: {  	v53 =	vsub.f32 v19, v39;
	v41 =	vld [tilespmem:s11+$0x8240];
	v59 =	vmul.f32 $-5.000000000e-01, v54;
	(xrf2) =	vadd.scan.msk.f32 $0xffff, v34;
	v60 =	vmul.f32 v47, v47  }
0x8c: {  	v37 =	vsub.f32 v31, v39;
	v31 =	vsub.f32 v26, v39;
	v46 =	vld [tilespmem:s11+$0x8250]  }
0x8d: {  	v35 =	vsub.f32 v24, v39;
	v19 =	vadd.f32 v44, v58;
	v54 =	vld [tilespmem:s11+$0x200];
	v24 =	vmul.f32 v60, v59  }
0x8e: {  	v32 =	vadd.f32 v51, v61;
	v33 =	vadd.f32 v42, v63;
	v57 =	vld [tilespmem:s11+$0x8200]  }
0x8f: {  	v58 =	vmul.f32 v19, v19;
	v26 =	vadd.f32 v40, v62;
	v30 =	vadd.f32 $1.500000000e+00, v24  }
0x90: {  	v43 =	vadd.f32 v33, v27;
	v51 =	vmul.f32 v33, v33;
	v29 =	vadd.f32 v41, v29  }
0x91: {  	v62 =	vmul.f32 v26, v26;
	v24 =	vadd.f32 v46, v48;
	v30 =	vmul.f32 v47, v30  }
0x92: {  	v44 =	vadd.f32 v19, v26;
	v59 =	vmul.f32 v29, v29;
	v46 =	vmul.f32 v32, v32  }
0x93: {  	v34 =	vadd.f32 v57, v54;
	v60 =	vmul.f32 v24, v24;
	v40 =	vmul.f32 v30, v49  }
0x94: {  	v41 =	vadd.f32 v24, v29;
	v61, _, _ =	vpop (xrf2);
	v39 =	vmul.f32 v30, v50;
	v38 =	vmul.f32 v30, v52  }
0x95: {  	v47 =	vadd.f32 v58, v62;
	v42 =	vperm.xlane v61, v0;
	v50 =	vmul.f32 v27, v27;
	v63, _, _ =	vpop (xrf2)  }
0x96: {  	s12 =	sshll.u32 s25, $0x1;
	s13 =	simm.s32 $0x600;
	v45 =	vadd.f32 v60, v59;
	v48 =	vmul.f32 v30, v53;
	v49 =	vperm.xlane v63, v0  }
.LBB2_6:
0x97: {  	s17 =	sshra.s32 s13, $0x2;
	p2 =	sne.s32 s13, $0xFE00;
	s13 =	sadd.s32 $0x200, s13;
	v52 =	vmul.f32 v34, v34;
	v50 =	vadd.f32 v51, v50;
	v35 =	vmul.f32 v30, v35  }
0x98: {  	v53 =	vadd.f32 v32, v34;
	v51 =	vld [tilespmem:s17+$0x8220];
	v49 =	vmul.f32 $7.812500000e-03, v49;
	v48 =	vmul.f32 v48, v4  }
0x99: {  	v40 =	vmul.f32 v40, v1;
	v36 =	vmul.f32 v30, v36;
	v54 =	vld [tilespmem:s17+$0x8270];
	v46 =	vadd.f32 v46, v52  }
0x9a: {  	v41 =	vadd.f32 v44, v41;
	v42 =	vmul.f32 $7.812500000e-03, v42;
	v52 =	vld [tilespmem:s17+$0x8230];
	v44 =	vmul.f32 v49, v49  }
0x9b: {  	v45 =	vadd.f32 v47, v45;
	v36 =	vmul.f32 v36, v6;
	v55 =	vld [tilespmem:s17+$0x8200];
	v46 =	vadd.f32 v50, v46  }
0x9c: {  	v37 =	vmul.f32 v30, v37;
	v43 =	vadd.f32 v43, v53;
	v47 =	vld [tilespmem:s17+$0x8260];
	v42 =	vsub.f32 v42, v44  }
0x9d: {  	v39 =	vmul.f32 v39, v2;
	v44 =	vld [tilespmem:s17+$0x8210];
	v45 =	vadd.f32 v45, v46;
	v46 =	vadd.f32 v48, v12  }
0x9e: {  	v38 =	vmul.f32 v38, v3;
	v41 =	vadd.f32 v41, v43;
	v48 =	vld [tilespmem:s17+$0x8250];
	v42 =	vadd.f32 $9.999999960e-13, v42  }
0x9f: {  	v59 =	vmul.f32 v35, v5;
	v53 =	vsub.f32 v25, v49;
	v50 =	vsub.f32 v28, v49;
	v43 =	vld [tilespmem:s17+$0x8240];
	[tilespmem:s21+$0x10230] =	vst v46  }
0xa0: {  	v56 =	vsub.f32 v21, v49;
	v35 =	vsub.f32 v20, v49;
	v21 =	vmovc v27;
	v20 =	vmovc v29;
	v46 =	vld [tilespmem:s17+$0x220];
	v60 =	vshra.s32 v42, $0x1  }
0xa1: {  	v58 =	vsub.f32 v23, v49;
	v25 =	vmovc v32;
	v23 =	vmovc v33;
	v27 =	vadd.f32 v59, v13;
	v29 =	vld [tilespmem:s17+$0x270];
	v57 =	vsub.s32 $0x5F3759DF, v60  }
0xa2: {  	v28 =	vmovc v34;
	v33 =	vmul.f32 $-5.000000000e-01, v42;
	v32 =	vld [tilespmem:s17+$0x250];
	(xrf2) =	vadd.scan.msk.f32 $0xffff, v45;
	v42 =	vmul.f32 v57, v57;
	v45 =	vadd.f32 v36, v14  }
0xa3: {  	v37 =	vmul.f32 v37, v7;
	v59 =	vadd.f32 v40, v9;
	v36 =	vsub.f32 v22, v49;
	v34 =	vld [tilespmem:s17+$0x240];
	[tilespmem:s21+$0x10240] =	vst v27  }
0xa4: {  	v39 =	vadd.f32 v39, v10;
	v38 =	vadd.f32 v38, v11;
	v40 =	vld [tilespmem:s17+$0x210];
	v33 =	vmul.f32 v42, v33;
	[tilespmem:s21+$0x10250] =	vst v45  }
0xa5: {  	v30 =	vmul.f32 v30, v31;
	v27 =	vadd.f32 v51, v46;
	v42 =	vld [tilespmem:s17+$0x230];
	(xrf2) =	vadd.scan.msk.f32 $0xffff, v41;
	v41 =	vadd.f32 v37, v15  }
0xa6: {  	v22 =	vmovc v24;
	v37 =	vsub.f32 v18, v49;
	v18 =	vmov v26;
	v45 =	vld [tilespmem:s17+$0x260];
	v31 =	vadd.f32 $1.500000000e+00, v33;
	[tilespmem:s21+$0x10200] =	vst v59  }
0xa7: {  	v26 =	vadd.f32 v54, v29;
	v51 =	vld [tilespmem:s17+$0x200];
	v24 =	vadd.f32 v48, v32;
	[tilespmem:s21+$0x10260] =	vst v41;
	v32 =	vmul.f32 v30, v8  }
0xa8: {  	v29 =	vadd.f32 v43, v34;
	v30 =	vmul.f32 v57, v31;
	v31 =	vsub.f32 v17, v49;
	[tilespmem:s21+$0x10210] =	vst v39  }
0xa9: {  	v48 =	vmul.f32 v26, v26;
	v17 =	vmovc v19;
	v19 =	vmov v26;
	[tilespmem:s21+$0x10220] =	vst v38;
	v33 =	vadd.f32 v32, v16  }
0xaa: {  	v32 =	vadd.f32 v44, v40;
	v41 =	vadd.f32 v24, v29;
	v34 =	vmul.f32 v29, v29  }
0xab: {  	v40 =	vmul.f32 v30, v50;
	v26 =	vadd.f32 v47, v45;
	v45 =	vmul.f32 v24, v24;
	[tilespmem:s21+$0x10270] =	vst v33;
	s21 =	smov.u32 s10;
	s10 =	smov.u32 s11;
	s11 =	smov.u32 s17  }
.Ltmp2:
0xac: {  	v39 =	vmul.f32 v30, v53;
	v38 =	vmul.f32 v30, v56;
	v33 =	vadd.f32 v52, v42;
	v42, _, _ =	vpop (xrf2);
	(pc) =	sbr.rel @p2 .LBB2_6-.Ltmp2, $4  }
0xad: {  	v46 =	vmul.f32 v32, v32;
	v44 =	vadd.f32 v19, v26;
	v42 =	vperm.xlane v42, v0  }
0xae: {  	v43 =	vadd.f32 v33, v27;
	v47 =	vmul.f32 v26, v26;
	v45 =	vadd.f32 v45, v34  }
0xaf: {  	v50 =	vmul.f32 v27, v27;
	v34 =	vadd.f32 v55, v51;
	v51 =	vmul.f32 v33, v33;
	v49, _, _ =	vpop (xrf2)  }
0xb0: {  	v47 =	vadd.f32 v48, v47;
	v48 =	vmul.f32 v30, v58;
	v49 =	vperm.xlane v49, v0  }
0xb1: {  	v52 =	vmul.f32 v34, v34;
	_ =	sdelay $0x1  }
0xb2: {  	v50 =	vadd.f32 v51, v50;
	v46 =	vadd.f32 v46, v52  }
0xb3: {  	v62 =	vadd.f32 v32, v34  }
0xb4: {  	v45 =	vadd.f32 v47, v45;
	v46 =	vadd.f32 v50, v46  }
0xb5: {  	v41 =	vadd.f32 v44, v41;
	v43 =	vadd.f32 v43, v62  }
0xb6: {  	v63 =	vadd.f32 v45, v46  }
0xb7: {  	v41 =	vadd.f32 v41, v43  }
0xb8: {  	(xrf2) =	vadd.scan.msk.f32 $0xffff, v63  }
0xb9: {  	v49 =	vmul.f32 $7.812500000e-03, v49;
	(xrf2) =	vadd.scan.msk.f32 $0xffff, v41;
	_ =	sdelay $0x1  }
0xba: {  	v51 =	vmul.f32 v49, v49;
	v50 =	vmul.f32 $7.812500000e-03, v42;
	_ =	sdelay $0x1  }
0xbb: {  	v41 =	vsub.f32 v50, v51  }
0xbc: {  	v35 =	vmul.f32 v30, v35;
	v36 =	vmul.f32 v30, v36  }
0xbd: {  	v40 =	vmul.f32 v40, v1;
	v37 =	vmul.f32 v30, v37;
	v41 =	vadd.f32 $9.999999960e-13, v41  }
0xbe: {  	v39 =	vmul.f32 v39, v2;
	v38 =	vmul.f32 v38, v3  }
0xbf: {  	v30 =	vmul.f32 v30, v31;
	v52 =	vmul.f32 v48, v4;
	v53 =	vshra.s32 v41, $0x1  }
0xc0: {  	v36 =	vmul.f32 v36, v6;
	v40 =	vadd.f32 v40, v9;
	v44 =	vsub.s32 $0x5F3759DF, v53;
	v54, _, _ =	vpop (xrf2)  }
0xc1: {  	v39 =	vadd.f32 v39, v10;
	v41 =	vmul.f32 $-5.000000000e-01, v41;
	v55 =	vmul.f32 v44, v44;
	v56, _, _ =	vpop (xrf2)  }
0xc2: {  	v31 =	vadd.f32 v38, v11;
	v28 =	vsub.f32 v28, v49;
	v47 =	vperm.xlane v56, v0  }
0xc3: {  	v25 =	vsub.f32 v25, v49;
	v21 =	vsub.f32 v21, v49;
	v41 =	vmul.f32 v55, v41  }
0xc4: {  	v20 =	vsub.f32 v20, v49;
	v45 =	vperm.xlane v54, v0;
	v57 =	vmul.f32 $7.812500000e-03, v47  }
0xc5: {  	v35 =	vmul.f32 v35, v5;
	v23 =	vsub.f32 v23, v49;
	v22 =	vsub.f32 v22, v49  }
0xc6: {  	v41 =	vadd.f32 $1.500000000e+00, v41;
	v45 =	vmul.f32 $7.812500000e-03, v45;
	v47 =	vmul.f32 v57, v57  }
0xc7: {  	v37 =	vmul.f32 v37, v7;
	v18 =	vsub.f32 v18, v49;
	v17 =	vsub.f32 v17, v49  }
0xc8: {  	v42 =	vadd.f32 v52, v12;
	v58 =	vmul.f32 v44, v41;
	v59 =	vsub.f32 v45, v47  }
0xc9: {  	v30 =	vmul.f32 v30, v8;
	v35 =	vadd.f32 v35, v13;
	v36 =	vadd.f32 v36, v14  }
0xca: {  	v28 =	vmul.f32 v58, v28;
	v23 =	vmul.f32 v58, v23;
	v41 =	vadd.f32 $9.999999960e-13, v59  }
0xcb: {  	v37 =	vadd.f32 v37, v15;
	v25 =	vmul.f32 v58, v25;
	v21 =	vmul.f32 v58, v21  }
0xcc: {  	[tilespmem:s21+$0x10200] =	vst v40;
	v20 =	vmul.f32 v58, v20;
	v22 =	vmul.f32 v58, v22;
	v60 =	vshra.s32 v41, $0x1  }
0xcd: {  	[tilespmem:s21+$0x10210] =	vst v39;
	v18 =	vmul.f32 v58, v18;
	v17 =	vmul.f32 v58, v17;
	v61 =	vsub.s32 $0x5F3759DF, v60  }
0xce: {  	v30 =	vadd.f32 v30, v16;
	[tilespmem:s21+$0x10220] =	vst v31;
	v62 =	vmul.f32 $-5.000000000e-01, v41;
	v63 =	vmul.f32 v61, v61  }
0xcf: {  	[tilespmem:s21+$0x10230] =	vst v42;
	v44 =	vsub.f32 v34, v57;
	v29 =	vsub.f32 v29, v57;
	v23 =	vmul.f32 v23, v4  }
0xd0: {  	[tilespmem:s21+$0x10250] =	vst v36;
	v31 =	vsub.f32 v33, v57;
	v20 =	vmul.f32 v20, v5;
	v36 =	vmul.f32 v63, v62  }
0xd1: {  	[tilespmem:s21+$0x10240] =	vst v35;
	v28 =	vmul.f32 v28, v1;
	v22 =	vmul.f32 v22, v6;
	v23 =	vadd.f32 v23, v12  }
0xd2: {  	[tilespmem:s21+$0x10260] =	vst v37;
	v18 =	vmul.f32 v18, v7;
	v20 =	vadd.f32 v20, v13;
	v47 =	vadd.f32 $1.500000000e+00, v36  }
0xd3: {  	v25 =	vmul.f32 v25, v2;
	v17 =	vmul.f32 v17, v8;
	v22 =	vadd.f32 v22, v14;
	[tilespmem:s10+$0x10230] =	vst v23  }
0xd4: {  	v18 =	vadd.f32 v18, v15;
	v23 =	vsub.f32 v24, v57;
	[tilespmem:s10+$0x10240] =	vst v20;
	v24 =	vmul.f32 v61, v47  }
0xd5: {  	v21 =	vmul.f32 v21, v3;
	v45 =	vsub.f32 v32, v57;
	v20 =	vadd.f32 v25, v10;
	[tilespmem:s10+$0x10250] =	vst v22  }
0xd6: {  	v28 =	vadd.f32 v28, v9;
	v17 =	vadd.f32 v17, v16;
	[tilespmem:s10+$0x10260] =	vst v18;
	v22 =	vmul.f32 v24, v31  }
0xd7: {  	v25 =	vsub.f32 v26, v57;
	[tilespmem:s10+$0x10210] =	vst v20;
	v26 =	vmul.f32 v24, v29;
	v20 =	vmul.f32 v24, v44  }
0xd8: {  	v18 =	vsub.f32 v19, v57;
	[tilespmem:s10+$0x10270] =	vst v17;
	v17 =	vmul.f32 v24, v45;
	v19 =	vmul.f32 v22, v4  }
0xd9: {  	[tilespmem:s21+$0x10270] =	vst v30;
	v21 =	vadd.f32 v21, v11;
	v22 =	vmul.f32 v24, v23;
	v23 =	vmul.f32 v26, v5  }
0xda: {  	v27 =	vsub.f32 v27, v57;
	[tilespmem:s10+$0x10200] =	vst v28;
	v20 =	vmul.f32 v20, v1;
	v19 =	vadd.f32 v19, v12  }
0xdb: {  	[tilespmem:s10+$0x10220] =	vst v21;
	v18 =	vmul.f32 v24, v18;
	v17 =	vmul.f32 v17, v2;
	v23 =	vadd.f32 v23, v13  }
0xdc: {  	v21 =	vmul.f32 v22, v6;
	v22 =	vmul.f32 v24, v25;
	v20 =	vadd.f32 v20, v9;
	[tilespmem:s11+$0x10230] =	vst v19  }
0xdd: {  	v18 =	vmul.f32 v18, v8;
	v25 =	vmul.f32 v24, v27;
	v17 =	vadd.f32 v17, v10;
	[tilespmem:s11+$0x10240] =	vst v23  }
0xde: {  	v19 =	vadd.f32 v21, v14;
	v21 =	vmul.f32 v22, v7;
	[tilespmem:s11+$0x10200] =	vst v20  }
0xdf: {  	v22 =	vmul.f32 v25, v3;
	[tilespmem:s11+$0x10210] =	vst v17;
	v17 =	vadd.f32 v18, v16  }
0xe0: {  	s21 =	sshll.u32 s25, $0xF;
	[tilespmem:s11+$0x10250] =	vst v19;
	v19 =	vadd.f32 v21, v15  }
0xe1: {  	s10 =	sadd.s32 s15, s21;
	v20 =	vadd.f32 v22, v11;
	[tilespmem:s11+$0x10270] =	vst v17  }
0xe2: {  	s21 =	sor.u32 $0x1, s12;
	s10 =	sshrl.u32 s10, $0x3;
	[tilespmem:s11+$0x10260] =	vst v19  }
0xe3: {  	p2 =	sgt.u32 s21, $0xC6;
	s10 =	sadd.s32 s6, s10;
	[tilespmem:s11+$0x10220] =	vst v20  }
0xe4: {  	[hbm4b:s10+s7] =	stream.linear.scatter [tilespmem:s4], [sflag:$0x5], $0x4000, $0x38;
	[tilespmem:$0x18300] =	vst v63  }
0xe5: {  	s10 =	simm.s32 @!p2 $0x1  }
0xe6: {  	_ =	swait.ge @!p2 [sflag:s10], $0x80  }
0xe7: {  	[sflag:s10] =	ssyncset.done @!p2 $0x0  }
0xe8: {  	[sflag:s10] =	ssyncadd.s32 @!p2 $0xFFFFFF80  }
0xe9: {  	_ =	swait.ge @!p2 [sflag:s10], $0x80  }
0xea: {  	s12 =	simm.s32 @!p2 $0x200;
	[sflag:s10] =	ssyncset.done @!p2 $0x0  }
0xeb: {  	s11 =	simm.s32 @!p2 $0x0;
	[sflag:s10] =	ssyncadd.s32 @!p2 $0xFFFFFF80;
	s10 =	simm.s32 @!p2 $0x80  }
0xec: {  	[tilespmem:s12], [sflag:$0x3] =	stream.indirect.gather @!p2 [hbm4b:s0+s10], $0x80, s11, s10, $0xb8;
	[tilespmem:$0x18300] =	vst v63  }
0xed: {  	s11 =	simm.s32 @!p2 $0x100;
	s12 =	simm.s32 @!p2 $0x8200  }
0xee: {  	[tilespmem:s12], [sflag:$0x3] =	stream.indirect.gather @!p2 [hbm4b:s2+s10], $0x80, s11, s10, $0xb8;
	[tilespmem:$0x18300] =	vst v63  }
0xef: {  	_ =	swait.ge [sflag:s1], $0x4000  }
0xf0: {  	[sflag:s1] =	ssyncset.done $0x0  }
0xf1: {  	[sflag:s1] =	ssyncadd.s32 $0xFFFFC000  }
0xf2: {  	s10 =	sadd.s32 @!p0 s26, s16;
	_ =	swait.ge [sflag:s1], $0x4000  }
0xf3: {  	s13 =	simm.s32 @!p0 $0x80;
	s10 =	sshrl.u32 @!p0 s10, $0x3;
	[sflag:s1] =	ssyncset.done $0x0  }
0xf4: {  	s12 =	simm.s32 @!p0 $0x0;
	s11 =	sadd.s32 @!p0 s8, s10;
	[sflag:s1] =	ssyncadd.s32 $0xFFFFC000  }
0xf5: {  	[tilespmem:s13], [sflag:$0x2] =	stream.linear.gather @!p0 [hbm4b:s11+s12], $0x80, $0x38;
	[tilespmem:$0x18300] =	vst v63  }
0xf6: {  	s10 =	sadd.s32 @!p0 s9, s10;
	s11 =	simm.s32 @!p0 $0x180  }
0xf7: {  	[tilespmem:s11], [sflag:$0x2] =	stream.linear.gather @!p0 [hbm4b:s10+s12], $0x80, $0x38;
	[tilespmem:$0x18300] =	vst v63  }
0xf8: {  	s10 =	simm.s32 @!p1 $0x6  }
0xf9: {  	_ =	swait.ge @!p1 [sflag:s10], $0x4000  }
0xfa: {  	[sflag:s10] =	ssyncset.done @!p1 $0x0  }
0xfb: {  	s26 =	simm.s32 $0x0;
	[sflag:s10] =	ssyncadd.s32 @!p1 $0xFFFFC000  }
0xfc: {  	v17 =	vld [tilespmem:s26+$0xC220]  }
0xfd: {  	v18 =	vld [tilespmem:s26+$0xC270]  }
0xfe: {  	v19 =	vld [tilespmem:s26+$0xC230]  }
0xff: {  	v20 =	vld [tilespmem:s26+$0xC200]  }
0x100: {  	v21 =	vld [tilespmem:s26+$0xC260]  }
0x101: {  	v22 =	vld [tilespmem:s26+$0xC210]  }
0x102: {  	v23 =	vld [tilespmem:s26+$0xC250]  }
0x103: {  	v24 =	vld [tilespmem:s26+$0xC240]  }
0x104: {  	v25 =	vld [tilespmem:s26+$0x4220]  }
0x105: {  	v26 =	vld [tilespmem:s26+$0x4270]  }
0x106: {  	v27 =	vld [tilespmem:s26+$0x4250]  }
0x107: {  	v28 =	vld [tilespmem:s26+$0x4240]  }
0x108: {  	v29 =	vld [tilespmem:s26+$0x4210]  }
0x109: {  	v31 =	vld [tilespmem:s26+$0x4260]  }
0x10a: {  	v30 =	vld [tilespmem:s26+$0x4230]  }
0x10b: {  	v48 =	vld [tilespmem:s26+$0x4200]  }
0x10c: {  	v26 =	vadd.f32 v18, v26;
	v27 =	vadd.f32 v23, v27  }
0x10d: {  	v24 =	vadd.f32 v24, v28;
	v33 =	vadd.f32 v17, v25  }
0x10e: {  	v29 =	vadd.f32 v22, v29;
	v31 =	vadd.f32 v21, v31  }
0x10f: {  	v19 =	vadd.f32 v19, v30;
	v17 =	vmul.f32 v26, v26;
	v18 =	vmul.f32 v24, v24  }
0x110: {  	s10 =	simm.s32 $0x80;
	v30 =	vadd.f32 v20, v48;
	v21 =	vmul.f32 v27, v27;
	v22 =	vmul.f32 v29, v29  }
0x111: {  	v53 =	vld [tilespmem:s10+$0xC230];
	v20 =	vadd.f32 v27, v24;
	v23 =	vmul.f32 v31, v31;
	v25 =	vmul.f32 v33, v33  }
0x112: {  	v55 =	vld [tilespmem:s10+$0x4240];
	v28 =	vadd.f32 v26, v31;
	v49 =	vmul.f32 v19, v19;
	v50 =	vmul.f32 v30, v30  }
0x113: {  	v56 =	vld [tilespmem:s10+$0x4220];
	v18 =	vadd.f32 v21, v18;
	v17 =	vadd.f32 v17, v23  }
0x114: {  	v57 =	vld [tilespmem:s10+$0x4210];
	v23 =	vadd.f32 v49, v25;
	v22 =	vadd.f32 v22, v50  }
0x115: {  	v58 =	vld [tilespmem:s10+$0x4260];
	v51 =	vadd.f32 v19, v33;
	v52 =	vadd.f32 v29, v30  }
0x116: {  	v59 =	vld [tilespmem:s10+$0x4230];
	v22 =	vadd.f32 v23, v22;
	v17 =	vadd.f32 v17, v18  }
0x117: {  	v21 =	vld [tilespmem:s10+$0xC220];
	v18 =	vadd.f32 v28, v20;
	v20 =	vadd.f32 v51, v52  }
0x118: {  	v25 =	vld [tilespmem:s10+$0xC270];
	v17 =	vadd.f32 v17, v22  }
0x119: {  	v28 =	vld [tilespmem:s10+$0xC210];
	v18 =	vadd.f32 v18, v20  }
0x11a: {  	v22 =	vld [tilespmem:s10+$0xC250];
	(xrf2) =	vadd.scan.msk.f32 $0xffff, v17  }
0x11b: {  	v20 =	vld [tilespmem:s10+$0xC240];
	(xrf2) =	vadd.scan.msk.f32 $0xffff, v18  }
0x11c: {  	v17 =	vld [tilespmem:s10+$0x4270]  }
0x11d: {  	v18 =	vld [tilespmem:s10+$0x4250]  }
0x11e: {  	v23 =	vld [tilespmem:s10+$0xC260]  }
0x11f: {  	v21 =	vadd.f32 v21, v56  }
0x120: {  	v20 =	vadd.f32 v20, v55  }
0x121: {  	v54 =	vld [tilespmem:s10+$0xC200];
	v55 =	vmul.f32 v21, v21;
	v17 =	vadd.f32 v25, v17  }
0x122: {  	v60 =	vld [tilespmem:s10+$0x4200];
	v25 =	vadd.f32 v28, v57;
	v63 =	vmul.f32 v20, v20;
	v22 =	vadd.f32 v22, v18  }
0x123: {  	v18 =	vadd.f32 v23, v58;
	v23 =	vadd.f32 v53, v59;
	v61 =	vmul.f32 v17, v17  }
0x124: {  	s11 =	simm.s32 $0x100;
	v50 =	vmul.f32 v25, v25;
	v48 =	vmul.f32 v22, v22;
	v28, _, _ =	vpop (xrf2)  }
0x125: {  	v38 =	vld [tilespmem:s11+$0xC220];
	v62 =	vadd.f32 v22, v20;
	v53 =	vmul.f32 v18, v18;
	v56 =	vadd.f32 v23, v21;
	v49, _, _ =	vpop (xrf2)  }
0x126: {  	v44 =	vld [tilespmem:s11+$0xC270];
	v57 =	vmul.f32 v23, v23;
	v37 =	vadd.f32 v48, v63;
	v51 =	vperm.xlane v49, v0  }
0x127: {  	v42 =	vld [tilespmem:s11+$0xC230];
	v32 =	vadd.f32 v61, v53;
	v52 =	vperm.xlane v28, v0;
	v28 =	vadd.f32 v54, v60  }
0x128: {  	v46 =	vld [tilespmem:s11+$0xC250];
	v40 =	vadd.f32 v57, v55;
	v54 =	vadd.f32 v17, v18;
	v39 =	vmul.f32 $7.812500000e-03, v51  }
0x129: {  	v63 =	vld [tilespmem:s11+$0x4220];
	v32 =	vadd.f32 v32, v37;
	v58 =	vmul.f32 v28, v28;
	v60 =	vadd.f32 v25, v28  }
0x12a: {  	v45 =	vld [tilespmem:s11+$0x4270];
	v41 =	vmul.f32 $7.812500000e-03, v52;
	v34 =	vadd.f32 v54, v62;
	v59 =	vmul.f32 v39, v39  }
0x12b: {  	v57 =	vld [tilespmem:s11+$0x4250];
	v35 =	vadd.f32 v50, v58;
	v62 =	vadd.f32 v56, v60  }
0x12c: {  	v60 =	vld [tilespmem:s11+$0xC210];
	v50 =	vsub.f32 v29, v39;
	v41 =	vsub.f32 v41, v59  }
0x12d: {  	v29 =	vld [tilespmem:s11+$0x4240];
	v36 =	vsub.f32 v27, v39;
	v35 =	vadd.f32 v40, v35  }
0x12e: {  	v27 =	vadd.f32 v38, v63;
	v63 =	vld [tilespmem:s11+$0x4230];
	v61 =	vadd.f32 $9.999999960e-13, v41  }
0x12f: {  	v40 =	vld [tilespmem:s11+$0xC260];
	v32 =	vadd.f32 v32, v35  }
0x130: {  	v34 =	vadd.f32 v34, v62;
	v62 =	vld [tilespmem:s11+$0x4260];
	v55 =	vshra.s32 v61, $0x1  }
0x131: {  	v49 =	vsub.f32 v30, v39;
	v52 =	vsub.f32 v33, v39;
	v41 =	vld [tilespmem:s11+$0xC240];
	(xrf2) =	vadd.scan.msk.f32 $0xffff, v32;
	v56 =	vsub.s32 $0x5F3759DF, v55  }
0x132: {  	v53 =	vsub.f32 v19, v39;
	v58 =	vmul.f32 $-5.000000000e-01, v61;
	v61 =	vld [tilespmem:s11+$0x4210];
	(xrf2) =	vadd.scan.msk.f32 $0xffff, v34;
	v59 =	vmul.f32 v56, v56  }
0x133: {  	v37 =	vsub.f32 v31, v39;
	v19 =	vadd.f32 v44, v45  }
0x134: {  	v35 =	vsub.f32 v24, v39;
	v33 =	vadd.f32 v42, v63;
	v24 =	vmul.f32 v59, v58  }
0x135: {  	v31 =	vsub.f32 v26, v39;
	v26 =	vadd.f32 v40, v62  }
0x136: {  	v54 =	vld [tilespmem:s11+$0x4200];
	v51 =	vmul.f32 v33, v33;
	v29 =	vadd.f32 v41, v29;
	v30 =	vadd.f32 $1.500000000e+00, v24  }
0x137: {  	v62 =	vmul.f32 v26, v26;
	v32 =	vadd.f32 v60, v61;
	v24 =	vadd.f32 v46, v57;
	v57 =	vld [tilespmem:s11+$0xC200]  }
0x138: {  	v43 =	vadd.f32 v33, v27;
	v58 =	vmul.f32 v19, v19;
	v30 =	vmul.f32 v56, v30  }
0x139: {  	v44 =	vadd.f32 v19, v26;
	v59 =	vmul.f32 v29, v29;
	v46 =	vmul.f32 v32, v32  }
0x13a: {  	v47 =	vadd.f32 v58, v62;
	v60 =	vmul.f32 v24, v24;
	v40 =	vmul.f32 v30, v49  }
0x13b: {  	v41 =	vadd.f32 v24, v29;
	v61, _, _ =	vpop (xrf2);
	v39 =	vmul.f32 v30, v50;
	v38 =	vmul.f32 v30, v52  }
0x13c: {  	v42 =	vperm.xlane v61, v0;
	v50 =	vmul.f32 v27, v27;
	v63, _, _ =	vpop (xrf2);
	v34 =	vadd.f32 v57, v54  }
0x13d: {  	s12 =	simm.s32 $0x600;
	v45 =	vadd.f32 v60, v59;
	v48 =	vmul.f32 v30, v53;
	v49 =	vperm.xlane v63, v0  }
.LBB2_8:
0x13e: {  	s13 =	sshra.s32 s12, $0x2;
	p0 =	sne.s32 s12, $0xFE00;
	s12 =	sadd.s32 $0x200, s12;
	v52 =	vmul.f32 v34, v34;
	v50 =	vadd.f32 v51, v50;
	v35 =	vmul.f32 v30, v35  }
0x13f: {  	v53 =	vadd.f32 v32, v34;
	v51 =	vld [tilespmem:s13+$0xC220];
	v49 =	vmul.f32 $7.812500000e-03, v49;
	v48 =	vmul.f32 v48, v4  }
0x140: {  	v40 =	vmul.f32 v40, v1;
	v36 =	vmul.f32 v30, v36;
	v54 =	vld [tilespmem:s13+$0xC270];
	v46 =	vadd.f32 v46, v52  }
0x141: {  	v41 =	vadd.f32 v44, v41;
	v42 =	vmul.f32 $7.812500000e-03, v42;
	v52 =	vld [tilespmem:s13+$0xC230];
	v44 =	vmul.f32 v49, v49  }
0x142: {  	v45 =	vadd.f32 v47, v45;
	v36 =	vmul.f32 v36, v6;
	v55 =	vld [tilespmem:s13+$0xC200];
	v46 =	vadd.f32 v50, v46  }
0x143: {  	v37 =	vmul.f32 v30, v37;
	v43 =	vadd.f32 v43, v53;
	v47 =	vld [tilespmem:s13+$0xC260];
	v42 =	vsub.f32 v42, v44  }
0x144: {  	v39 =	vmul.f32 v39, v2;
	v44 =	vld [tilespmem:s13+$0xC210];
	v45 =	vadd.f32 v45, v46;
	v46 =	vadd.f32 v48, v12  }
0x145: {  	v38 =	vmul.f32 v38, v3;
	v41 =	vadd.f32 v41, v43;
	v48 =	vld [tilespmem:s13+$0xC250];
	v42 =	vadd.f32 $9.999999960e-13, v42  }
0x146: {  	v59 =	vmul.f32 v35, v5;
	v53 =	vsub.f32 v25, v49;
	v50 =	vsub.f32 v28, v49;
	v43 =	vld [tilespmem:s13+$0xC240];
	[tilespmem:s26+$0x14230] =	vst v46  }
0x147: {  	v56 =	vsub.f32 v21, v49;
	v35 =	vsub.f32 v20, v49;
	v21 =	vmovc v27;
	v20 =	vmovc v29;
	v46 =	vld [tilespmem:s13+$0x4220];
	v60 =	vshra.s32 v42, $0x1  }
0x148: {  	v58 =	vsub.f32 v23, v49;
	v25 =	vmovc v32;
	v23 =	vmovc v33;
	v27 =	vadd.f32 v59, v13;
	v29 =	vld [tilespmem:s13+$0x4270];
	v57 =	vsub.s32 $0x5F3759DF, v60  }
0x149: {  	v28 =	vmovc v34;
	v33 =	vmul.f32 $-5.000000000e-01, v42;
	v32 =	vld [tilespmem:s13+$0x4250];
	(xrf2) =	vadd.scan.msk.f32 $0xffff, v45;
	v42 =	vmul.f32 v57, v57;
	v45 =	vadd.f32 v36, v14  }
0x14a: {  	v37 =	vmul.f32 v37, v7;
	v59 =	vadd.f32 v40, v9;
	v36 =	vsub.f32 v22, v49;
	v34 =	vld [tilespmem:s13+$0x4240];
	[tilespmem:s26+$0x14240] =	vst v27  }
0x14b: {  	v39 =	vadd.f32 v39, v10;
	v38 =	vadd.f32 v38, v11;
	v40 =	vld [tilespmem:s13+$0x4210];
	v33 =	vmul.f32 v42, v33;
	[tilespmem:s26+$0x14250] =	vst v45  }
0x14c: {  	v30 =	vmul.f32 v30, v31;
	v27 =	vadd.f32 v51, v46;
	v42 =	vld [tilespmem:s13+$0x4230];
	(xrf2) =	vadd.scan.msk.f32 $0xffff, v41;
	v41 =	vadd.f32 v37, v15  }
0x14d: {  	v22 =	vmovc v24;
	v37 =	vsub.f32 v18, v49;
	v18 =	vmov v26;
	v45 =	vld [tilespmem:s13+$0x4260];
	v31 =	vadd.f32 $1.500000000e+00, v33;
	[tilespmem:s26+$0x14200] =	vst v59  }
0x14e: {  	v26 =	vadd.f32 v54, v29;
	v51 =	vld [tilespmem:s13+$0x4200];
	v24 =	vadd.f32 v48, v32;
	[tilespmem:s26+$0x14260] =	vst v41;
	v32 =	vmul.f32 v30, v8  }
0x14f: {  	v29 =	vadd.f32 v43, v34;
	v30 =	vmul.f32 v57, v31;
	v31 =	vsub.f32 v17, v49;
	[tilespmem:s26+$0x14210] =	vst v39  }
0x150: {  	v48 =	vmul.f32 v26, v26;
	v17 =	vmovc v19;
	v19 =	vmov v26;
	[tilespmem:s26+$0x14220] =	vst v38;
	v33 =	vadd.f32 v32, v16  }
0x151: {  	v32 =	vadd.f32 v44, v40;
	v41 =	vadd.f32 v24, v29;
	v34 =	vmul.f32 v29, v29  }
0x152: {  	v40 =	vmul.f32 v30, v50;
	v26 =	vadd.f32 v47, v45;
	v45 =	vmul.f32 v24, v24;
	[tilespmem:s26+$0x14270] =	vst v33;
	s26 =	smov.u32 s10;
	s10 =	smov.u32 s11;
	s11 =	smov.u32 s13  }
.Ltmp3:
0x153: {  	v39 =	vmul.f32 v30, v53;
	v38 =	vmul.f32 v30, v56;
	v33 =	vadd.f32 v52, v42;
	v42, _, _ =	vpop (xrf2);
	(pc) =	sbr.rel @p0 .LBB2_8-.Ltmp3, $4  }
0x154: {  	v46 =	vmul.f32 v32, v32;
	v44 =	vadd.f32 v19, v26;
	v42 =	vperm.xlane v42, v0  }
0x155: {  	v43 =	vadd.f32 v33, v27;
	v47 =	vmul.f32 v26, v26;
	v45 =	vadd.f32 v45, v34  }
0x156: {  	v50 =	vmul.f32 v27, v27;
	v34 =	vadd.f32 v55, v51;
	v51 =	vmul.f32 v33, v33;
	v49, _, _ =	vpop (xrf2)  }
0x157: {  	v47 =	vadd.f32 v48, v47;
	v48 =	vmul.f32 v30, v58;
	v49 =	vperm.xlane v49, v0  }
0x158: {  	v52 =	vmul.f32 v34, v34;
	_ =	sdelay $0x1  }
0x159: {  	v50 =	vadd.f32 v51, v50;
	v46 =	vadd.f32 v46, v52  }
0x15a: {  	v61 =	vadd.f32 v32, v34  }
0x15b: {  	v45 =	vadd.f32 v47, v45;
	v46 =	vadd.f32 v50, v46  }
0x15c: {  	v41 =	vadd.f32 v44, v41;
	v43 =	vadd.f32 v43, v61  }
0x15d: {  	v62 =	vadd.f32 v45, v46  }
0x15e: {  	v41 =	vadd.f32 v41, v43  }
0x15f: {  	(xrf2) =	vadd.scan.msk.f32 $0xffff, v62  }
0x160: {  	v63 =	vmul.f32 $7.812500000e-03, v49;
	(xrf2) =	vadd.scan.msk.f32 $0xffff, v41;
	_ =	sdelay $0x1  }
0x161: {  	v47 =	vmul.f32 $7.812500000e-03, v42;
	v49 =	vmul.f32 v63, v63;
	_ =	sdelay $0x1  }
0x162: {  	v41 =	vsub.f32 v47, v49  }
0x163: {  	v35 =	vmul.f32 v30, v35;
	v36 =	vmul.f32 v30, v36  }
0x164: {  	v40 =	vmul.f32 v40, v1;
	v37 =	vmul.f32 v30, v37;
	v41 =	vadd.f32 $9.999999960e-13, v41  }
0x165: {  	v39 =	vmul.f32 v39, v2;
	v38 =	vmul.f32 v38, v3  }
0x166: {  	v56 =	vmul.f32 v30, v31;
	v36 =	vmul.f32 v36, v6;
	v51 =	vshra.s32 v41, $0x1  }
0x167: {  	v35 =	vmul.f32 v35, v5;
	v40 =	vadd.f32 v40, v9;
	v44 =	vsub.s32 $0x5F3759DF, v51;
	v52, _, _ =	vpop (xrf2)  }
0x168: {  	v39 =	vadd.f32 v39, v10;
	v41 =	vmul.f32 $-5.000000000e-01, v41;
	v53 =	vmul.f32 v44, v44;
	v54, _, _ =	vpop (xrf2)  }
0x169: {  	v57 =	vadd.f32 v38, v11;
	v28 =	vsub.f32 v28, v63;
	v47 =	vperm.xlane v54, v0  }
0x16a: {  	v25 =	vsub.f32 v25, v63;
	v21 =	vsub.f32 v21, v63;
	v41 =	vmul.f32 v53, v41  }
0x16b: {  	v20 =	vsub.f32 v20, v63;
	v45 =	vperm.xlane v52, v0;
	v55 =	vmul.f32 $7.812500000e-03, v47  }
0x16c: {  	v37 =	vmul.f32 v37, v7;
	v23 =	vsub.f32 v23, v63;
	v22 =	vsub.f32 v22, v63  }
0x16d: {  	v41 =	vadd.f32 $1.500000000e+00, v41;
	v45 =	vmul.f32 $7.812500000e-03, v45;
	v47 =	vmul.f32 v55, v55  }
0x16e: {  	v30 =	vmul.f32 v56, v8;
	v18 =	vsub.f32 v18, v63;
	v17 =	vsub.f32 v17, v63  }
0x16f: {  	v35 =	vadd.f32 v35, v13;
	v58 =	vmul.f32 v44, v41;
	v59 =	vsub.f32 v45, v47  }
0x170: {  	v50 =	vmul.f32 v48, v4;
	v36 =	vadd.f32 v36, v14;
	v37 =	vadd.f32 v37, v15  }
0x171: {  	v30 =	vadd.f32 v30, v16;
	v28 =	vmul.f32 v58, v28;
	v41 =	vadd.f32 $9.999999960e-13, v59  }
0x172: {  	v42 =	vadd.f32 v50, v12;
	v23 =	vmul.f32 v58, v23;
	v25 =	vmul.f32 v58, v25  }
0x173: {  	[tilespmem:s26+$0x14200] =	vst v40;
	v21 =	vmul.f32 v58, v21;
	v20 =	vmul.f32 v58, v20;
	v60 =	vshra.s32 v41, $0x1  }
0x174: {  	[tilespmem:s26+$0x14210] =	vst v39;
	v22 =	vmul.f32 v58, v22;
	v18 =	vmul.f32 v58, v18;
	v61 =	vsub.s32 $0x5F3759DF, v60  }
0x175: {  	[tilespmem:s26+$0x14220] =	vst v57;
	v44 =	vsub.f32 v34, v55;
	v62 =	vmul.f32 $-5.000000000e-01, v41;
	v63 =	vmul.f32 v61, v61  }
0x176: {  	[tilespmem:s26+$0x14240] =	vst v35;
	v17 =	vmul.f32 v58, v17;
	v27 =	vsub.f32 v27, v55;
	v29 =	vsub.f32 v29, v55  }
0x177: {  	[tilespmem:s26+$0x14250] =	vst v36;
	v49 =	vsub.f32 v24, v55;
	v23 =	vmul.f32 v23, v4;
	v36 =	vmul.f32 v63, v62  }
0x178: {  	[tilespmem:s26+$0x14260] =	vst v37;
	v53 =	vsub.f32 v26, v55;
	v28 =	vmul.f32 v28, v1;
	v20 =	vmul.f32 v20, v5  }
0x179: {  	[tilespmem:s26+$0x14270] =	vst v30;
	v22 =	vmul.f32 v22, v6;
	v23 =	vadd.f32 v23, v12;
	v48 =	vadd.f32 $1.500000000e+00, v36  }
0x17a: {  	[tilespmem:s26+$0x14230] =	vst v42;
	v25 =	vmul.f32 v25, v2;
	v18 =	vmul.f32 v18, v7;
	v20 =	vadd.f32 v20, v13  }
0x17b: {  	v47 =	vsub.f32 v33, v55;
	v22 =	vadd.f32 v22, v14;
	[tilespmem:s10+$0x14230] =	vst v23;
	v50 =	vmul.f32 v61, v48  }
0x17c: {  	v21 =	vmul.f32 v21, v3;
	v17 =	vmul.f32 v17, v8;
	v28 =	vadd.f32 v28, v9;
	[tilespmem:s10+$0x14240] =	vst v20  }
0x17d: {  	v45 =	vsub.f32 v32, v55;
	v18 =	vadd.f32 v18, v15;
	[tilespmem:s10+$0x14250] =	vst v22;
	v52 =	vmul.f32 v50, v47  }
0x17e: {  	v51 =	vadd.f32 v25, v10;
	v17 =	vadd.f32 v17, v16;
	[tilespmem:s10+$0x14200] =	vst v28;
	v54 =	vmul.f32 v50, v29  }
0x17f: {  	[tilespmem:s10+$0x14260] =	vst v18;
	v18 =	vsub.f32 v19, v55;
	v56 =	vmul.f32 v50, v44;
	v19 =	vmul.f32 v52, v4  }
0x180: {  	v21 =	vadd.f32 v21, v11;
	[tilespmem:s10+$0x14270] =	vst v17;
	v17 =	vmul.f32 v50, v45;
	v57 =	vmul.f32 v54, v5  }
0x181: {  	[tilespmem:s10+$0x14210] =	vst v51;
	v60 =	vmul.f32 v50, v27;
	v20 =	vmul.f32 v56, v1;
	v19 =	vadd.f32 v19, v12  }
0x182: {  	[tilespmem:s10+$0x14220] =	vst v21;
	v55 =	vmul.f32 v50, v49;
	v17 =	vmul.f32 v17, v2;
	v23 =	vadd.f32 v57, v13  }
0x183: {  	v18 =	vmul.f32 v50, v18;
	v62 =	vmul.f32 v60, v3;
	v20 =	vadd.f32 v20, v9;
	[tilespmem:s11+$0x14230] =	vst v19  }
0x184: {  	v59 =	vmul.f32 v50, v53;
	v58 =	vmul.f32 v55, v6;
	v17 =	vadd.f32 v17, v10;
	[tilespmem:s11+$0x14240] =	vst v23  }
0x185: {  	s25 =	sadd.s32 $0x1, s25;
	v18 =	vmul.f32 v18, v8;
	v63 =	vadd.f32 v62, v11;
	[tilespmem:s11+$0x14200] =	vst v20  }
0x186: {  	p0 =	sne.s32 s25, $0x64;
	v61 =	vmul.f32 v59, v7;
	v19 =	vadd.f32 v58, v14;
	[tilespmem:s11+$0x14210] =	vst v17  }
.Ltmp4:
0x187: {  	s26 =	sshll.u32 s21, $0xE;
	v17 =	vadd.f32 v18, v16;
	[tilespmem:s11+$0x14220] =	vst v63;
	(pc) =	sbr.rel @p0 .LBB2_2-.Ltmp4, $4  }
0x188: {  	s10 =	sadd.s32 s15, s26;
	[tilespmem:s11+$0x14250] =	vst v19;
	v19 =	vadd.f32 v61, v15  }
0x189: {  	s10 =	sshrl.u32 s10, $0x3;
	[tilespmem:s11+$0x14270] =	vst v17  }
0x18a: {  	s10 =	sadd.s32 s6, s10;
	[tilespmem:s11+$0x14260] =	vst v19  }
0x18b: {  	[hbm4b:s10+s7] =	stream.linear.scatter [tilespmem:s3], [sflag:$0x6], $0x4000, $0x38;
	[tilespmem:$0x18300] =	vst v63  }
0x18c: {  	_ =	swait.ge [sflag:s5], $0x4000  }
0x18d: {  	[sflag:s5] =	ssyncset.done $0x0  }
0x18e: {  	[sflag:s5] =	ssyncadd.s32 $0xFFFFC000  }
0x18f: {  	_ =	swait.ge [sflag:s18], $0x4000  }
0x190: {  	s20 =	sadd.s32 $0x1, s20;
	s10 =	rddreg [dreg:$0xb]  }
0x191: {  	p0 =	sne.s32 s20, s10  }
.Ltmp5:
0x192: {  	_ = 	snop;
	(pc) =	sbr.rel @p0 .LBB2_1-.Ltmp5, $3  }
0x193: {  	_ =	sdelay $0x1  }
0x194: {  	[sflag:s18] =	ssyncset.done $0x0  }
0x195: {  	[sflag:s18] =	ssyncadd.s32 $0xFFFFC000  }
0x196: {  	_ =	sfence.sel $0x180000  }
0x197: {  	[bflag:$0x0] =	sbarrier.arrive $0xFFFF  }
0x198: {  	_ =	strace $0x90000047  }
0x199: {  	s0 =	stileid.u32;
	[bflag:$0x2] =	sbarrier.arrive $0xFFFF  }
0x19a: {  	p0 =	sne.s32 s0, $0x0;
	s0 =	rddreg [dreg:$0x6]  }
0x19b: {  	s0 =	sadd.s32 @!p0 $0x100000, s0  }
0x19c: {  	[sflag:s0] =	ssyncadd.tile.s32 @!p0 $0x1;
	_ =	shalt  }
.Lfunc_end2:
_tile_overlayer_lowered:
.L_overlay_start_2:
0x19d: {  	(tag) =	ssettag $0x2  }
0x19e: {  	s0 =	rddreg [dreg:$0x0];
	s2 =	stileid.u32  }
0x19f: {  	s1 =	rddreg [dreg:$0x1];
	p0 =	sne.s32 s2, $0x0  }
0x1a0: {  	s3 =	rddreg [dreg:$0x2];
	[bflag:$0x3] =	sbarrier.arrive $0xFFFF;
	s2 =	simm.s32 @!p0 $0x1C07  }
0x1a1: {  	[timem:s3], [sflag:s2] =	dma.local @!p0 [hbm:s0], s1  }
0x1a2: {  	s0 =	simm.s32 @!p0 $0x7  }
0x1a3: {  	_ =	swait.ge @!p0 [sflag:s0], s1  }
0x1a4: {  	s1 =	ssub.s32 @!p0 $0x0, s1;
	[sflag:s0] =	ssyncset.done @!p0 $0x0  }
0x1a5: {  	[sflag:s0] =	ssyncadd.s32 @!p0 s1  }
0x1a6: {  	[bflag:$0x3] =	sbarrier.arrive $0xFFFF  }
0x1a7: {  	_ =	shalt  }

</sc_bundles>
